<compile_context>
chip_gen: v7x
topology: tpu7x:2x2x1
jax: 0.10.2.dev20260603
libtpu: 0.0.44.dev20260713+nightly
codegen_flags: <defaults>
</compile_context>

<pallas_src>
import functools

import jax
import jax.numpy as jnp
from jax import lax
from jax.experimental import pallas as pl
from jax.experimental.pallas import tpu as pltpu
from jax.experimental.pallas import tpu_sc as plsc

_OD = 256
_NW = 32
_C = 256


def _make_sc(n):
    rows_w = n // _NW
    mesh = plsc.VectorSubcoreMesh(core_axis_name="c", subcore_axis_name="s")

    @functools.partial(
        pl.kernel, mesh=mesh,
        out_type=jax.ShapeDtypeStruct((n * _OD,), jnp.float32),
        scratch_types=[
            pltpu.VMEM((3 * _C,), jnp.float32),
            pltpu.VMEM((4 * _OD,), jnp.float32),
            pltpu.VMEM((16,), jnp.float32),
            pltpu.VMEM((_C * _OD,), jnp.float32),
        ],
    )
    def sc_kernel(xt_hbm, wtb_hbm, av_hbm, out_hbm, xv, wv, av, ov):
        wid = lax.axis_index("s") * 2 + lax.axis_index("c")
        pltpu.sync_copy(wtb_hbm, wv)
        pltpu.sync_copy(av_hbm, av)
        avec = av[...]
        base0 = wid * rows_w

        def chunk_body(ci, _):
            base = base0 + ci * _C
            for k in range(3):
                pltpu.sync_copy(xt_hbm.at[pl.ds(k * n + base, _C)],
                                xv.at[pl.ds(k * _C, _C)])

            def group_body(g, _):
                xg0 = xv[pl.ds(g * 16, 16)]
                xg1 = xv[pl.ds(_C + g * 16, 16)]
                xg2 = xv[pl.ds(2 * _C + g * 16, 16)]
                xs = [(xg0[r], xg1[r], xg2[r]) for r in range(16)]

                def j_body(j, _):
                    w0 = wv[pl.ds(16 * j, 16)]
                    w1 = wv[pl.ds(_OD + 16 * j, 16)]
                    w2 = wv[pl.ds(2 * _OD + 16 * j, 16)]
                    bj = wv[pl.ds(3 * _OD + 16 * j, 16)]
                    for r in range(16):
                        x0, x1, x2 = xs[r]
                        y = x0 * w0 + x1 * w1 + x2 * w2 + bj
                        ov[pl.ds((g * 16 + r) * _OD + 16 * j, 16)] = (
                            jnp.maximum(y, avec * y))
                    return 0

                lax.fori_loop(0, _OD // 16, j_body, 0)
                return 0

            lax.fori_loop(0, _C // 16, group_body, 0)
            pltpu.sync_copy(ov, out_hbm.at[pl.ds(base * _OD, _C * _OD)])
            return 0

        lax.fori_loop(0, rows_w // _C, chunk_body, 0)

    return sc_kernel


@jax.jit
def kernel(last, W, b, prelu_a):
    n, idim = last.shape
    odim = W.shape[0]
    xt = last.T.reshape(-1)
    wtb = jnp.concatenate([W.T, b[None, :]], axis=0).reshape(-1)
    av = jnp.broadcast_to(jnp.asarray(prelu_a, jnp.float32), (16,))
    out = _make_sc(n)(xt, wtb, av)
    return out.reshape(n, odim)

# --- scband reference (transcript-rebuilt; emitter-appended) ---
"""Pipeline reference for scband-encoder-layer-28595892256994 (READ-ONLY COPY).

The authoritative reference and input builder live on the scoring server;
editing this copy changes nothing except your own understanding.
"""

import jax, jax.numpy as jnp
import numpy as np

IDIM = 3
ODIM = 256
N = 262144


def setup_inputs(seed: int = 0) -> dict:
    key = jax.random.key(seed)
    k1, k2, k3 = jax.random.split(key, 3)
    last = jax.random.normal(k1, (N, IDIM), dtype=jnp.float32)
    # nn.Linear(3, 256): weight [odim, idim], bias [odim]
    bound = 1.0 / np.sqrt(IDIM)
    W = jax.random.uniform(k2, (ODIM, IDIM), dtype=jnp.float32, minval=-bound, maxval=bound)
    b = jax.random.uniform(k3, (ODIM,), dtype=jnp.float32, minval=-bound, maxval=bound)
    # PReLU single learnable slope, init=relu_weight=0.005
    prelu_a = jnp.asarray(0.005, dtype=jnp.float32)
    return {"last": last, "W": W, "b": b, "prelu_a": prelu_a}


def reference(last, W, b, prelu_a):
    # EncoderLayer('leaf'): ans = dropout(PReLU(Linear(last)))
    # dim=-1 -> transpose is a no-op; flatten=None; dropout p=0.0 (identity in eval)
    y = last @ W.T + b
    ans = jnp.where(y >= 0, y, prelu_a * y)
    return ans

if __name__ == "__main__":
    import jax
    _d = setup_inputs()
    print(jax.jit(kernel)(*tuple(_d.values())))

</pallas_src>

<mosaic_0001>
#map = affine_map<(d0, d1) -> (0)>
module attributes {stable_mosaic.version = 14 : i64} {
  func.func @sc_kernel(%arg0: i32, %arg1: i32, %arg2: memref<786432xf32, #tpu.memory_space<hbm>>, %arg3: memref<1024xf32, #tpu.memory_space<hbm>>, %arg4: memref<16xf32, #tpu.memory_space<hbm>>, %arg5: memref<67108864xf32, #tpu.memory_space<hbm>>, %arg6: memref<768xf32, #tpu.memory_space<vmem>>, %arg7: memref<1024xf32, #tpu.memory_space<vmem>>, %arg8: memref<16xf32, #tpu.memory_space<vmem>>, %arg9: memref<65536xf32, #tpu.memory_space<vmem>>) attributes {dimension_semantics = [#tpu.dimension_semantics<core_parallel>, #tpu.dimension_semantics<subcore_parallel>], iteration_bounds = array<i64: 2, 16>, scalar_prefetch = 0 : i64, scratch_operands = 4 : i64, tpu.core_type = #tpu.core_type<sc_vector_subcore>, window_params = [{transform_indices = #map}, {transform_indices = #map}, {transform_indices = #map}, {transform_indices = #map}]} {
    %mul3A = arith.constant 2 : i32
    %mul3A_0 = arith.muli %arg1, %mul3A : i32
    %add3A = arith.addi %mul3A_0, %arg0 : i32
    "tpu.region"() ({
      %run_scoped3A = tpu.sem_alloc : memref<!tpu.dma_semaphore, #tpu.memory_space<semaphore_mem>>
      tpu.enqueue_dma source(%arg3 : memref<1024xf32, #tpu.memory_space<hbm>>) target(%arg7 : memref<1024xf32, #tpu.memory_space<vmem>>) target_semaphore(%run_scoped3A : memref<!tpu.dma_semaphore, #tpu.memory_space<semaphore_mem>>)
      tpu.wait_dma2 semaphore(%run_scoped3A : memref<!tpu.dma_semaphore, #tpu.memory_space<semaphore_mem>>) src(%arg3 : memref<1024xf32, #tpu.memory_space<hbm>>) dst(%arg7 : memref<1024xf32, #tpu.memory_space<vmem>>)
      tpu.yield
    }) : () -> ()
    "tpu.region"() ({
      %run_scoped3A = tpu.sem_alloc : memref<!tpu.dma_semaphore, #tpu.memory_space<semaphore_mem>>
      tpu.enqueue_dma source(%arg4 : memref<16xf32, #tpu.memory_space<hbm>>) target(%arg8 : memref<16xf32, #tpu.memory_space<vmem>>) target_semaphore(%run_scoped3A : memref<!tpu.dma_semaphore, #tpu.memory_space<semaphore_mem>>)
      tpu.wait_dma2 semaphore(%run_scoped3A : memref<!tpu.dma_semaphore, #tpu.memory_space<semaphore_mem>>) src(%arg4 : memref<16xf32, #tpu.memory_space<hbm>>) dst(%arg8 : memref<16xf32, #tpu.memory_space<vmem>>)
      tpu.yield
    }) : () -> ()
    %get3A = arith.constant 0 : index
    %get3A_1 = tpu.vector_load %arg8[%get3A] {strides = array<i32>} : memref<16xf32, #tpu.memory_space<vmem>>, vector<16xf32>,
    %get3A_2 = vector.shape_cast %get3A_1 : vector<16xf32> to vector<16xf32>
    %mul3A_3 = arith.constant 8192 : i32
    %mul3A_4 = arith.muli %add3A, %mul3A_3 : i32
    %scan3A = arith.constant 0 : i32
    %scan3A_5 = arith.constant 0 : i32
    %scan3A_6 = arith.constant 32 : i32
    %scan3A_7 = arith.addi %scan3A_5, %scan3A_6 : i32
    %scan3A_8 = arith.constant 1 : i32
    %scan3A_9 = scf.for %scan3A_11 = %scan3A_5 to %scan3A_7 step %scan3A_8 iter_args(%scan3A_12 = %scan3A) -> (i32)  : i32 {
      %mul3A_13 = arith.constant 256 : i32
      %mul3A_14 = arith.muli %scan3A_11, %mul3A_13 : i32
      %add3A_15 = arith.addi %mul3A_4, %mul3A_14 : i32
      %add3A_16 = arith.constant 0 : i32
      %add3A_17 = arith.addi %add3A_16, %add3A_15 : i32
      "tpu.region"() ({
        %run_scoped3A = tpu.sem_alloc : memref<!tpu.dma_semaphore, #tpu.memory_space<semaphore_mem>>
        %dma_start3A = arith.constant 0 : i32
        %dma_start3A_32 = tpu.memref_slice %arg6[%dma_start3A] : memref<768xf32, #tpu.memory_space<vmem>> -> memref<256xf32, #tpu.memory_space<vmem>>
        %dma_start3A_33 = tpu.memref_slice %arg2[%add3A_17] : memref<786432xf32, #tpu.memory_space<hbm>> -> memref<256xf32, #tpu.memory_space<hbm>>
        %dma_start3A_34 = arith.constant 0 : i32
        %dma_start3A_35 = tpu.memref_slice %arg6[%dma_start3A_34] : memref<768xf32, #tpu.memory_space<vmem>> -> memref<256xf32, #tpu.memory_space<vmem>>
        %dma_start3A_36 = tpu.memref_slice %arg2[%add3A_17] : memref<786432xf32, #tpu.memory_space<hbm>> -> memref<256xf32, #tpu.memory_space<hbm>>
        tpu.enqueue_dma source(%dma_start3A_36 : memref<256xf32, #tpu.memory_space<hbm>>) target(%dma_start3A_35 : memref<256xf32, #tpu.memory_space<vmem>>) target_semaphore(%run_scoped3A : memref<!tpu.dma_semaphore, #tpu.memory_space<semaphore_mem>>)
        %dma_wait3A = arith.constant 0 : i32
        %dma_wait3A_37 = tpu.memref_slice %arg6[%dma_wait3A] : memref<768xf32, #tpu.memory_space<vmem>> -> memref<256xf32, #tpu.memory_space<vmem>>
        %dma_wait3A_38 = tpu.memref_slice %arg2[%add3A_17] : memref<786432xf32, #tpu.memory_space<hbm>> -> memref<256xf32, #tpu.memory_space<hbm>>
        %dma_wait3A_39 = arith.constant 0 : i32
        %dma_wait3A_40 = tpu.memref_slice %arg6[%dma_wait3A_39] : memref<768xf32, #tpu.memory_space<vmem>> -> memref<256xf32, #tpu.memory_space<vmem>>
        %dma_wait3A_41 = tpu.memref_slice %arg2[%add3A_17] : memref<786432xf32, #tpu.memory_space<hbm>> -> memref<256xf32, #tpu.memory_space<hbm>>
        tpu.wait_dma2 semaphore(%run_scoped3A : memref<!tpu.dma_semaphore, #tpu.memory_space<semaphore_mem>>) src(%dma_wait3A_41 : memref<256xf32, #tpu.memory_space<hbm>>) dst(%dma_wait3A_40 : memref<256xf32, #tpu.memory_space<vmem>>)
        tpu.yield
      }) : () -> ()
      %add3A_18 = arith.constant 262144 : i32
      %add3A_19 = arith.addi %add3A_18, %add3A_15 : i32
      "tpu.region"() ({
        %run_scoped3A = tpu.sem_alloc : memref<!tpu.dma_semaphore, #tpu.memory_space<semaphore_mem>>
        %dma_start3A = arith.constant 256 : i32
        %dma_start3A_32 = tpu.memref_slice %arg6[%dma_start3A] : memref<768xf32, #tpu.memory_space<vmem>> -> memref<256xf32, #tpu.memory_space<vmem>>
        %dma_start3A_33 = tpu.memref_slice %arg2[%add3A_19] : memref<786432xf32, #tpu.memory_space<hbm>> -> memref<256xf32, #tpu.memory_space<hbm>>
        %dma_start3A_34 = arith.constant 256 : i32
        %dma_start3A_35 = tpu.memref_slice %arg6[%dma_start3A_34] : memref<768xf32, #tpu.memory_space<vmem>> -> memref<256xf32, #tpu.memory_space<vmem>>
        %dma_start3A_36 = tpu.memref_slice %arg2[%add3A_19] : memref<786432xf32, #tpu.memory_space<hbm>> -> memref<256xf32, #tpu.memory_space<hbm>>
        tpu.enqueue_dma source(%dma_start3A_36 : memref<256xf32, #tpu.memory_space<hbm>>) target(%dma_start3A_35 : memref<256xf32, #tpu.memory_space<vmem>>) target_semaphore(%run_scoped3A : memref<!tpu.dma_semaphore, #tpu.memory_space<semaphore_mem>>)
        %dma_wait3A = arith.constant 256 : i32
        %dma_wait3A_37 = tpu.memref_slice %arg6[%dma_wait3A] : memref<768xf32, #tpu.memory_space<vmem>> -> memref<256xf32, #tpu.memory_space<vmem>>
        %dma_wait3A_38 = tpu.memref_slice %arg2[%add3A_19] : memref<786432xf32, #tpu.memory_space<hbm>> -> memref<256xf32, #tpu.memory_space<hbm>>
        %dma_wait3A_39 = arith.constant 256 : i32
        %dma_wait3A_40 = tpu.memref_slice %arg6[%dma_wait3A_39] : memref<768xf32, #tpu.memory_space<vmem>> -> memref<256xf32, #tpu.memory_space<vmem>>
        %dma_wait3A_41 = tpu.memref_slice %arg2[%add3A_19] : memref<786432xf32, #tpu.memory_space<hbm>> -> memref<256xf32, #tpu.memory_space<hbm>>
        tpu.wait_dma2 semaphore(%run_scoped3A : memref<!tpu.dma_semaphore, #tpu.memory_space<semaphore_mem>>) src(%dma_wait3A_41 : memref<256xf32, #tpu.memory_space<hbm>>) dst(%dma_wait3A_40 : memref<256xf32, #tpu.memory_space<vmem>>)
        tpu.yield
      }) : () -> ()
      %add3A_20 = arith.constant 524288 : i32
      %add3A_21 = arith.addi %add3A_20, %add3A_15 : i32
      "tpu.region"() ({
        %run_scoped3A = tpu.sem_alloc : memref<!tpu.dma_semaphore, #tpu.memory_space<semaphore_mem>>
        %dma_start3A = arith.constant 512 : i32
        %dma_start3A_32 = tpu.memref_slice %arg6[%dma_start3A] : memref<768xf32, #tpu.memory_space<vmem>> -> memref<256xf32, #tpu.memory_space<vmem>>
        %dma_start3A_33 = tpu.memref_slice %arg2[%add3A_21] : memref<786432xf32, #tpu.memory_space<hbm>> -> memref<256xf32, #tpu.memory_space<hbm>>
        %dma_start3A_34 = arith.constant 512 : i32
        %dma_start3A_35 = tpu.memref_slice %arg6[%dma_start3A_34] : memref<768xf32, #tpu.memory_space<vmem>> -> memref<256xf32, #tpu.memory_space<vmem>>
        %dma_start3A_36 = tpu.memref_slice %arg2[%add3A_21] : memref<786432xf32, #tpu.memory_space<hbm>> -> memref<256xf32, #tpu.memory_space<hbm>>
        tpu.enqueue_dma source(%dma_start3A_36 : memref<256xf32, #tpu.memory_space<hbm>>) target(%dma_start3A_35 : memref<256xf32, #tpu.memory_space<vmem>>) target_semaphore(%run_scoped3A : memref<!tpu.dma_semaphore, #tpu.memory_space<semaphore_mem>>)
        %dma_wait3A = arith.constant 512 : i32
        %dma_wait3A_37 = tpu.memref_slice %arg6[%dma_wait3A] : memref<768xf32, #tpu.memory_space<vmem>> -> memref<256xf32, #tpu.memory_space<vmem>>
        %dma_wait3A_38 = tpu.memref_slice %arg2[%add3A_21] : memref<786432xf32, #tpu.memory_space<hbm>> -> memref<256xf32, #tpu.memory_space<hbm>>
        %dma_wait3A_39 = arith.constant 512 : i32
        %dma_wait3A_40 = tpu.memref_slice %arg6[%dma_wait3A_39] : memref<768xf32, #tpu.memory_space<vmem>> -> memref<256xf32, #tpu.memory_space<vmem>>
        %dma_wait3A_41 = tpu.memref_slice %arg2[%add3A_21] : memref<786432xf32, #tpu.memory_space<hbm>> -> memref<256xf32, #tpu.memory_space<hbm>>
        tpu.wait_dma2 semaphore(%run_scoped3A : memref<!tpu.dma_semaphore, #tpu.memory_space<semaphore_mem>>) src(%dma_wait3A_41 : memref<256xf32, #tpu.memory_space<hbm>>) dst(%dma_wait3A_40 : memref<256xf32, #tpu.memory_space<vmem>>)
        tpu.yield
      }) : () -> ()
      %scan3A_22 = arith.constant 0 : i32
      %scan3A_23 = arith.constant 0 : i32
      %scan3A_24 = arith.constant 16 : i32
      %scan3A_25 = arith.addi %scan3A_23, %scan3A_24 : i32
      %scan3A_26 = arith.constant 1 : i32
      %scan3A_27 = scf.for %scan3A_32 = %scan3A_23 to %scan3A_25 step %scan3A_26 iter_args(%scan3A_33 = %scan3A_22) -> (i32)  : i32 {
        %mul3A_34 = arith.constant 16 : i32
        %mul3A_35 = arith.muli %scan3A_32, %mul3A_34 : i32
        %get3A_36 = arith.index_cast %mul3A_35 : i32 to index
        %get3A_37 = tpu.vector_load %arg6[%get3A_36] {strides = array<i32>} : memref<768xf32, #tpu.memory_space<vmem>>, vector<16xf32>,
        %get3A_38 = vector.shape_cast %get3A_37 : vector<16xf32> to vector<16xf32>
        %mul3A_39 = arith.constant 16 : i32
        %mul3A_40 = arith.muli %scan3A_32, %mul3A_39 : i32
        %add3A_41 = arith.constant 256 : i32
        %add3A_42 = arith.addi %add3A_41, %mul3A_40 : i32
        %get3A_43 = arith.index_cast %add3A_42 : i32 to index
        %get3A_44 = tpu.vector_load %arg6[%get3A_43] {strides = array<i32>} : memref<768xf32, #tpu.memory_space<vmem>>, vector<16xf32>,
        %get3A_45 = vector.shape_cast %get3A_44 : vector<16xf32> to vector<16xf32>
        %mul3A_46 = arith.constant 16 : i32
        %mul3A_47 = arith.muli %scan3A_32, %mul3A_46 : i32
        %add3A_48 = arith.constant 512 : i32
        %add3A_49 = arith.addi %add3A_48, %mul3A_47 : i32
        %get3A_50 = arith.index_cast %add3A_49 : i32 to index
        %get3A_51 = tpu.vector_load %arg6[%get3A_50] {strides = array<i32>} : memref<768xf32, #tpu.memory_space<vmem>>, vector<16xf32>,
        %get3A_52 = vector.shape_cast %get3A_51 : vector<16xf32> to vector<16xf32>
        %slice3A = vector.extract_strided_slice %get3A_38 {offsets = [0], sizes = [1], strides = [1]} : vector<16xf32> to vector<1xf32>
        %squeeze3A = vector.extract %slice3A[0] : f32 from vector<1xf32>
        %slice3A_53 = vector.extract_strided_slice %get3A_45 {offsets = [0], sizes = [1], strides = [1]} : vector<16xf32> to vector<1xf32>
        %squeeze3A_54 = vector.extract %slice3A_53[0] : f32 from vector<1xf32>
        %slice3A_55 = vector.extract_strided_slice %get3A_52 {offsets = [0], sizes = [1], strides = [1]} : vector<16xf32> to vector<1xf32>
        %squeeze3A_56 = vector.extract %slice3A_55[0] : f32 from vector<1xf32>
        %slice3A_57 = vector.extract_strided_slice %get3A_38 {offsets = [1], sizes = [1], strides = [1]} : vector<16xf32> to vector<1xf32>
        %squeeze3A_58 = vector.extract %slice3A_57[0] : f32 from vector<1xf32>
        %slice3A_59 = vector.extract_strided_slice %get3A_45 {offsets = [1], sizes = [1], strides = [1]} : vector<16xf32> to vector<1xf32>
        %squeeze3A_60 = vector.extract %slice3A_59[0] : f32 from vector<1xf32>
        %slice3A_61 = vector.extract_strided_slice %get3A_52 {offsets = [1], sizes = [1], strides = [1]} : vector<16xf32> to vector<1xf32>
        %squeeze3A_62 = vector.extract %slice3A_61[0] : f32 from vector<1xf32>
        %slice3A_63 = vector.extract_strided_slice %get3A_38 {offsets = [2], sizes = [1], strides = [1]} : vector<16xf32> to vector<1xf32>
        %squeeze3A_64 = vector.extract %slice3A_63[0] : f32 from vector<1xf32>
        %slice3A_65 = vector.extract_strided_slice %get3A_45 {offsets = [2], sizes = [1], strides = [1]} : vector<16xf32> to vector<1xf32>
        %squeeze3A_66 = vector.extract %slice3A_65[0] : f32 from vector<1xf32>
        %slice3A_67 = vector.extract_strided_slice %get3A_52 {offsets = [2], sizes = [1], strides = [1]} : vector<16xf32> to vector<1xf32>
        %squeeze3A_68 = vector.extract %slice3A_67[0] : f32 from vector<1xf32>
        %slice3A_69 = vector.extract_strided_slice %get3A_38 {offsets = [3], sizes = [1], strides = [1]} : vector<16xf32> to vector<1xf32>
        %squeeze3A_70 = vector.extract %slice3A_69[0] : f32 from vector<1xf32>
        %slice3A_71 = vector.extract_strided_slice %get3A_45 {offsets = [3], sizes = [1], strides = [1]} : vector<16xf32> to vector<1xf32>
        %squeeze3A_72 = vector.extract %slice3A_71[0] : f32 from vector<1xf32>
        %slice3A_73 = vector.extract_strided_slice %get3A_52 {offsets = [3], sizes = [1], strides = [1]} : vector<16xf32> to vector<1xf32>
        %squeeze3A_74 = vector.extract %slice3A_73[0] : f32 from vector<1xf32>
        %slice3A_75 = vector.extract_strided_slice %get3A_38 {offsets = [4], sizes = [1], strides = [1]} : vector<16xf32> to vector<1xf32>
        %squeeze3A_76 = vector.extract %slice3A_75[0] : f32 from vector<1xf32>
        %slice3A_77 = vector.extract_strided_slice %get3A_45 {offsets = [4], sizes = [1], strides = [1]} : vector<16xf32> to vector<1xf32>
        %squeeze3A_78 = vector.extract %slice3A_77[0] : f32 from vector<1xf32>
        %slice3A_79 = vector.extract_strided_slice %get3A_52 {offsets = [4], sizes = [1], strides = [1]} : vector<16xf32> to vector<1xf32>
        %squeeze3A_80 = vector.extract %slice3A_79[0] : f32 from vector<1xf32>
        %slice3A_81 = vector.extract_strided_slice %get3A_38 {offsets = [5], sizes = [1], strides = [1]} : vector<16xf32> to vector<1xf32>
        %squeeze3A_82 = vector.extract %slice3A_81[0] : f32 from vector<1xf32>
        %slice3A_83 = vector.extract_strided_slice %get3A_45 {offsets = [5], sizes = [1], strides = [1]} : vector<16xf32> to vector<1xf32>
        %squeeze3A_84 = vector.extract %slice3A_83[0] : f32 from vector<1xf32>
        %slice3A_85 = vector.extract_strided_slice %get3A_52 {offsets = [5], sizes = [1], strides = [1]} : vector<16xf32> to vector<1xf32>
        %squeeze3A_86 = vector.extract %slice3A_85[0] : f32 from vector<1xf32>
        %slice3A_87 = vector.extract_strided_slice %get3A_38 {offsets = [6], sizes = [1], strides = [1]} : vector<16xf32> to vector<1xf32>
        %squeeze3A_88 = vector.extract %slice3A_87[0] : f32 from vector<1xf32>
        %slice3A_89 = vector.extract_strided_slice %get3A_45 {offsets = [6], sizes = [1], strides = [1]} : vector<16xf32> to vector<1xf32>
        %squeeze3A_90 = vector.extract %slice3A_89[0] : f32 from vector<1xf32>
        %slice3A_91 = vector.extract_strided_slice %get3A_52 {offsets = [6], sizes = [1], strides = [1]} : vector<16xf32> to vector<1xf32>
        %squeeze3A_92 = vector.extract %slice3A_91[0] : f32 from vector<1xf32>
        %slice3A_93 = vector.extract_strided_slice %get3A_38 {offsets = [7], sizes = [1], strides = [1]} : vector<16xf32> to vector<1xf32>
        %squeeze3A_94 = vector.extract %slice3A_93[0] : f32 from vector<1xf32>
        %slice3A_95 = vector.extract_strided_slice %get3A_45 {offsets = [7], sizes = [1], strides = [1]} : vector<16xf32> to vector<1xf32>
        %squeeze3A_96 = vector.extract %slice3A_95[0] : f32 from vector<1xf32>
        %slice3A_97 = vector.extract_strided_slice %get3A_52 {offsets = [7], sizes = [1], strides = [1]} : vector<16xf32> to vector<1xf32>
        %squeeze3A_98 = vector.extract %slice3A_97[0] : f32 from vector<1xf32>
        %slice3A_99 = vector.extract_strided_slice %get3A_38 {offsets = [8], sizes = [1], strides = [1]} : vector<16xf32> to vector<1xf32>
        %squeeze3A_100 = vector.extract %slice3A_99[0] : f32 from vector<1xf32>
        %slice3A_101 = vector.extract_strided_slice %get3A_45 {offsets = [8], sizes = [1], strides = [1]} : vector<16xf32> to vector<1xf32>
        %squeeze3A_102 = vector.extract %slice3A_101[0] : f32 from vector<1xf32>
        %slice3A_103 = vector.extract_strided_slice %get3A_52 {offsets = [8], sizes = [1], strides = [1]} : vector<16xf32> to vector<1xf32>
        %squeeze3A_104 = vector.extract %slice3A_103[0] : f32 from vector<1xf32>
        %slice3A_105 = vector.extract_strided_slice %get3A_38 {offsets = [9], sizes = [1], strides = [1]} : vector<16xf32> to vector<1xf32>
        %squeeze3A_106 = vector.extract %slice3A_105[0] : f32 from vector<1xf32>
        %slice3A_107 = vector.extract_strided_slice %get3A_45 {offsets = [9], sizes = [1], strides = [1]} : vector<16xf32> to vector<1xf32>
        %squeeze3A_108 = vector.extract %slice3A_107[0] : f32 from vector<1xf32>
        %slice3A_109 = vector.extract_strided_slice %get3A_52 {offsets = [9], sizes = [1], strides = [1]} : vector<16xf32> to vector<1xf32>
        %squeeze3A_110 = vector.extract %slice3A_109[0] : f32 from vector<1xf32>
        %slice3A_111 = vector.extract_strided_slice %get3A_38 {offsets = [10], sizes = [1], strides = [1]} : vector<16xf32> to vector<1xf32>
        %squeeze3A_112 = vector.extract %slice3A_111[0] : f32 from vector<1xf32>
        %slice3A_113 = vector.extract_strided_slice %get3A_45 {offsets = [10], sizes = [1], strides = [1]} : vector<16xf32> to vector<1xf32>
        %squeeze3A_114 = vector.extract %slice3A_113[0] : f32 from vector<1xf32>
        %slice3A_115 = vector.extract_strided_slice %get3A_52 {offsets = [10], sizes = [1], strides = [1]} : vector<16xf32> to vector<1xf32>
        %squeeze3A_116 = vector.extract %slice3A_115[0] : f32 from vector<1xf32>
        %slice3A_117 = vector.extract_strided_slice %get3A_38 {offsets = [11], sizes = [1], strides = [1]} : vector<16xf32> to vector<1xf32>
        %squeeze3A_118 = vector.extract %slice3A_117[0] : f32 from vector<1xf32>
        %slice3A_119 = vector.extract_strided_slice %get3A_45 {offsets = [11], sizes = [1], strides = [1]} : vector<16xf32> to vector<1xf32>
        %squeeze3A_120 = vector.extract %slice3A_119[0] : f32 from vector<1xf32>
        %slice3A_121 = vector.extract_strided_slice %get3A_52 {offsets = [11], sizes = [1], strides = [1]} : vector<16xf32> to vector<1xf32>
        %squeeze3A_122 = vector.extract %slice3A_121[0] : f32 from vector<1xf32>
        %slice3A_123 = vector.extract_strided_slice %get3A_38 {offsets = [12], sizes = [1], strides = [1]} : vector<16xf32> to vector<1xf32>
        %squeeze3A_124 = vector.extract %slice3A_123[0] : f32 from vector<1xf32>
        %slice3A_125 = vector.extract_strided_slice %get3A_45 {offsets = [12], sizes = [1], strides = [1]} : vector<16xf32> to vector<1xf32>
        %squeeze3A_126 = vector.extract %slice3A_125[0] : f32 from vector<1xf32>
        %slice3A_127 = vector.extract_strided_slice %get3A_52 {offsets = [12], sizes = [1], strides = [1]} : vector<16xf32> to vector<1xf32>
        %squeeze3A_128 = vector.extract %slice3A_127[0] : f32 from vector<1xf32>
        %slice3A_129 = vector.extract_strided_slice %get3A_38 {offsets = [13], sizes = [1], strides = [1]} : vector<16xf32> to vector<1xf32>
        %squeeze3A_130 = vector.extract %slice3A_129[0] : f32 from vector<1xf32>
        %slice3A_131 = vector.extract_strided_slice %get3A_45 {offsets = [13], sizes = [1], strides = [1]} : vector<16xf32> to vector<1xf32>
        %squeeze3A_132 = vector.extract %slice3A_131[0] : f32 from vector<1xf32>
        %slice3A_133 = vector.extract_strided_slice %get3A_52 {offsets = [13], sizes = [1], strides = [1]} : vector<16xf32> to vector<1xf32>
        %squeeze3A_134 = vector.extract %slice3A_133[0] : f32 from vector<1xf32>
        %slice3A_135 = vector.extract_strided_slice %get3A_38 {offsets = [14], sizes = [1], strides = [1]} : vector<16xf32> to vector<1xf32>
        %squeeze3A_136 = vector.extract %slice3A_135[0] : f32 from vector<1xf32>
        %slice3A_137 = vector.extract_strided_slice %get3A_45 {offsets = [14], sizes = [1], strides = [1]} : vector<16xf32> to vector<1xf32>
        %squeeze3A_138 = vector.extract %slice3A_137[0] : f32 from vector<1xf32>
        %slice3A_139 = vector.extract_strided_slice %get3A_52 {offsets = [14], sizes = [1], strides = [1]} : vector<16xf32> to vector<1xf32>
        %squeeze3A_140 = vector.extract %slice3A_139[0] : f32 from vector<1xf32>
        %slice3A_141 = vector.extract_strided_slice %get3A_38 {offsets = [15], sizes = [1], strides = [1]} : vector<16xf32> to vector<1xf32>
        %squeeze3A_142 = vector.extract %slice3A_141[0] : f32 from vector<1xf32>
        %slice3A_143 = vector.extract_strided_slice %get3A_45 {offsets = [15], sizes = [1], strides = [1]} : vector<16xf32> to vector<1xf32>
        %squeeze3A_144 = vector.extract %slice3A_143[0] : f32 from vector<1xf32>
        %slice3A_145 = vector.extract_strided_slice %get3A_52 {offsets = [15], sizes = [1], strides = [1]} : vector<16xf32> to vector<1xf32>
        %squeeze3A_146 = vector.extract %slice3A_145[0] : f32 from vector<1xf32>
        %scan3A_147 = arith.constant 0 : i32
        %scan3A_148 = arith.constant 0 : i32
        %scan3A_149 = arith.constant 16 : i32
        %scan3A_150 = arith.addi %scan3A_148, %scan3A_149 : i32
        %scan3A_151 = arith.constant 1 : i32
        %scan3A_152 = scf.for %scan3A_155 = %scan3A_148 to %scan3A_150 step %scan3A_151 iter_args(%scan3A_156 = %scan3A_147) -> (i32)  : i32 {
          %mul3A_157 = arith.constant 16 : i32
          %mul3A_158 = arith.muli %mul3A_157, %scan3A_155 : i32
          %get3A_159 = arith.index_cast %mul3A_158 : i32 to index
          %get3A_160 = tpu.vector_load %arg7[%get3A_159] {strides = array<i32>} : memref<1024xf32, #tpu.memory_space<vmem>>, vector<16xf32>,
          %get3A_161 = vector.shape_cast %get3A_160 : vector<16xf32> to vector<16xf32>
          %mul3A_162 = arith.constant 16 : i32
          %mul3A_163 = arith.muli %mul3A_162, %scan3A_155 : i32
          %add3A_164 = arith.constant 256 : i32
          %add3A_165 = arith.addi %add3A_164, %mul3A_163 : i32
          %get3A_166 = arith.index_cast %add3A_165 : i32 to index
          %get3A_167 = tpu.vector_load %arg7[%get3A_166] {strides = array<i32>} : memref<1024xf32, #tpu.memory_space<vmem>>, vector<16xf32>,
          %get3A_168 = vector.shape_cast %get3A_167 : vector<16xf32> to vector<16xf32>
          %mul3A_169 = arith.constant 16 : i32
          %mul3A_170 = arith.muli %mul3A_169, %scan3A_155 : i32
          %add3A_171 = arith.constant 512 : i32
          %add3A_172 = arith.addi %add3A_171, %mul3A_170 : i32
          %get3A_173 = arith.index_cast %add3A_172 : i32 to index
          %get3A_174 = tpu.vector_load %arg7[%get3A_173] {strides = array<i32>} : memref<1024xf32, #tpu.memory_space<vmem>>, vector<16xf32>,
          %get3A_175 = vector.shape_cast %get3A_174 : vector<16xf32> to vector<16xf32>
          %mul3A_176 = arith.constant 16 : i32
          %mul3A_177 = arith.muli %mul3A_176, %scan3A_155 : i32
          %add3A_178 = arith.constant 768 : i32
          %add3A_179 = arith.addi %add3A_178, %mul3A_177 : i32
          %get3A_180 = arith.index_cast %add3A_179 : i32 to index
          %get3A_181 = tpu.vector_load %arg7[%get3A_180] {strides = array<i32>} : memref<1024xf32, #tpu.memory_space<vmem>>, vector<16xf32>,
          %get3A_182 = vector.shape_cast %get3A_181 : vector<16xf32> to vector<16xf32>
          %mul3A_183 = vector.broadcast %squeeze3A : f32 to vector<16xf32>
          %mul3A_184 = arith.mulf %mul3A_183, %get3A_161 : vector<16xf32>
          %mul3A_185 = vector.broadcast %squeeze3A_54 : f32 to vector<16xf32>
          %mul3A_186 = arith.mulf %mul3A_185, %get3A_168 : vector<16xf32>
          %add3A_187 = arith.addf %mul3A_184, %mul3A_186 : vector<16xf32>
          %mul3A_188 = vector.broadcast %squeeze3A_56 : f32 to vector<16xf32>
          %mul3A_189 = arith.mulf %mul3A_188, %get3A_175 : vector<16xf32>
          %add3A_190 = arith.addf %add3A_187, %mul3A_189 : vector<16xf32>
          %add3A_191 = arith.addf %add3A_190, %get3A_182 : vector<16xf32>
          %mul3A_192 = arith.mulf %get3A_2, %add3A_191 : vector<16xf32>
          %max3A = arith.maximumf %add3A_191, %mul3A_192 : vector<16xf32>
          %mul3A_193 = arith.constant 16 : i32
          %mul3A_194 = arith.muli %scan3A_32, %mul3A_193 : i32
          %add3A_195 = arith.constant 0 : i32
          %add3A_196 = arith.addi %mul3A_194, %add3A_195 : i32
          %mul3A_197 = arith.constant 256 : i32
          %mul3A_198 = arith.muli %add3A_196, %mul3A_197 : i32
          %mul3A_199 = arith.constant 16 : i32
          %mul3A_200 = arith.muli %mul3A_199, %scan3A_155 : i32
          %add3A_201 = arith.addi %mul3A_198, %mul3A_200 : i32
          %swap3A = arith.index_cast %add3A_201 : i32 to index
          %swap3A_202 = tpu.vector_load %arg9[%swap3A] {strides = array<i32>} : memref<65536xf32, #tpu.memory_space<vmem>>, vector<16xf32>,
          %swap3A_203 = vector.shape_cast %swap3A_202 : vector<16xf32> to vector<16xf32>
          %swap3A_204 = vector.shape_cast %max3A : vector<16xf32> to vector<16xf32>
          tpu.vector_store %arg9[%swap3A], %swap3A_204 {strides = array<i32>} : memref<65536xf32, #tpu.memory_space<vmem>>, vector<16xf32>,
          %mul3A_205 = vector.broadcast %squeeze3A_58 : f32 to vector<16xf32>
          %mul3A_206 = arith.mulf %mul3A_205, %get3A_161 : vector<16xf32>
          %mul3A_207 = vector.broadcast %squeeze3A_60 : f32 to vector<16xf32>
          %mul3A_208 = arith.mulf %mul3A_207, %get3A_168 : vector<16xf32>
          %add3A_209 = arith.addf %mul3A_206, %mul3A_208 : vector<16xf32>
          %mul3A_210 = vector.broadcast %squeeze3A_62 : f32 to vector<16xf32>
          %mul3A_211 = arith.mulf %mul3A_210, %get3A_175 : vector<16xf32>
          %add3A_212 = arith.addf %add3A_209, %mul3A_211 : vector<16xf32>
          %add3A_213 = arith.addf %add3A_212, %get3A_182 : vector<16xf32>
          %mul3A_214 = arith.mulf %get3A_2, %add3A_213 : vector<16xf32>
          %max3A_215 = arith.maximumf %add3A_213, %mul3A_214 : vector<16xf32>
          %mul3A_216 = arith.constant 16 : i32
          %mul3A_217 = arith.muli %scan3A_32, %mul3A_216 : i32
          %add3A_218 = arith.constant 1 : i32
          %add3A_219 = arith.addi %mul3A_217, %add3A_218 : i32
          %mul3A_220 = arith.constant 256 : i32
          %mul3A_221 = arith.muli %add3A_219, %mul3A_220 : i32
          %mul3A_222 = arith.constant 16 : i32
          %mul3A_223 = arith.muli %mul3A_222, %scan3A_155 : i32
          %add3A_224 = arith.addi %mul3A_221, %mul3A_223 : i32
          %swap3A_225 = arith.index_cast %add3A_224 : i32 to index
          %swap3A_226 = tpu.vector_load %arg9[%swap3A_225] {strides = array<i32>} : memref<65536xf32, #tpu.memory_space<vmem>>, vector<16xf32>,
          %swap3A_227 = vector.shape_cast %swap3A_226 : vector<16xf32> to vector<16xf32>
          %swap3A_228 = vector.shape_cast %max3A_215 : vector<16xf32> to vector<16xf32>
          tpu.vector_store %arg9[%swap3A_225], %swap3A_228 {strides = array<i32>} : memref<65536xf32, #tpu.memory_space<vmem>>, vector<16xf32>,
          %mul3A_229 = vector.broadcast %squeeze3A_64 : f32 to vector<16xf32>
          %mul3A_230 = arith.mulf %mul3A_229, %get3A_161 : vector<16xf32>
          %mul3A_231 = vector.broadcast %squeeze3A_66 : f32 to vector<16xf32>
          %mul3A_232 = arith.mulf %mul3A_231, %get3A_168 : vector<16xf32>
          %add3A_233 = arith.addf %mul3A_230, %mul3A_232 : vector<16xf32>
          %mul3A_234 = vector.broadcast %squeeze3A_68 : f32 to vector<16xf32>
          %mul3A_235 = arith.mulf %mul3A_234, %get3A_175 : vector<16xf32>
          %add3A_236 = arith.addf %add3A_233, %mul3A_235 : vector<16xf32>
          %add3A_237 = arith.addf %add3A_236, %get3A_182 : vector<16xf32>
          %mul3A_238 = arith.mulf %get3A_2, %add3A_237 : vector<16xf32>
          %max3A_239 = arith.maximumf %add3A_237, %mul3A_238 : vector<16xf32>
          %mul3A_240 = arith.constant 16 : i32
          %mul3A_241 = arith.muli %scan3A_32, %mul3A_240 : i32
          %add3A_242 = arith.constant 2 : i32
          %add3A_243 = arith.addi %mul3A_241, %add3A_242 : i32
          %mul3A_244 = arith.constant 256 : i32
          %mul3A_245 = arith.muli %add3A_243, %mul3A_244 : i32
          %mul3A_246 = arith.constant 16 : i32
          %mul3A_247 = arith.muli %mul3A_246, %scan3A_155 : i32
          %add3A_248 = arith.addi %mul3A_245, %mul3A_247 : i32
          %swap3A_249 = arith.index_cast %add3A_248 : i32 to index
          %swap3A_250 = tpu.vector_load %arg9[%swap3A_249] {strides = array<i32>} : memref<65536xf32, #tpu.memory_space<vmem>>, vector<16xf32>,
          %swap3A_251 = vector.shape_cast %swap3A_250 : vector<16xf32> to vector<16xf32>
          %swap3A_252 = vector.shape_cast %max3A_239 : vector<16xf32> to vector<16xf32>
          tpu.vector_store %arg9[%swap3A_249], %swap3A_252 {strides = array<i32>} : memref<65536xf32, #tpu.memory_space<vmem>>, vector<16xf32>,
          %mul3A_253 = vector.broadcast %squeeze3A_70 : f32 to vector<16xf32>
          %mul3A_254 = arith.mulf %mul3A_253, %get3A_161 : vector<16xf32>
          %mul3A_255 = vector.broadcast %squeeze3A_72 : f32 to vector<16xf32>
          %mul3A_256 = arith.mulf %mul3A_255, %get3A_168 : vector<16xf32>
          %add3A_257 = arith.addf %mul3A_254, %mul3A_256 : vector<16xf32>
          %mul3A_258 = vector.broadcast %squeeze3A_74 : f32 to vector<16xf32>
          %mul3A_259 = arith.mulf %mul3A_258, %get3A_175 : vector<16xf32>
          %add3A_260 = arith.addf %add3A_257, %mul3A_259 : vector<16xf32>
          %add3A_261 = arith.addf %add3A_260, %get3A_182 : vector<16xf32>
          %mul3A_262 = arith.mulf %get3A_2, %add3A_261 : vector<16xf32>
          %max3A_263 = arith.maximumf %add3A_261, %mul3A_262 : vector<16xf32>
          %mul3A_264 = arith.constant 16 : i32
          %mul3A_265 = arith.muli %scan3A_32, %mul3A_264 : i32
          %add3A_266 = arith.constant 3 : i32
          %add3A_267 = arith.addi %mul3A_265, %add3A_266 : i32
          %mul3A_268 = arith.constant 256 : i32
          %mul3A_269 = arith.muli %add3A_267, %mul3A_268 : i32
          %mul3A_270 = arith.constant 16 : i32
          %mul3A_271 = arith.muli %mul3A_270, %scan3A_155 : i32
          %add3A_272 = arith.addi %mul3A_269, %mul3A_271 : i32
          %swap3A_273 = arith.index_cast %add3A_272 : i32 to index
          %swap3A_274 = tpu.vector_load %arg9[%swap3A_273] {strides = array<i32>} : memref<65536xf32, #tpu.memory_space<vmem>>, vector<16xf32>,
          %swap3A_275 = vector.shape_cast %swap3A_274 : vector<16xf32> to vector<16xf32>
          %swap3A_276 = vector.shape_cast %max3A_263 : vector<16xf32> to vector<16xf32>
          tpu.vector_store %arg9[%swap3A_273], %swap3A_276 {strides = array<i32>} : memref<65536xf32, #tpu.memory_space<vmem>>, vector<16xf32>,
          %mul3A_277 = vector.broadcast %squeeze3A_76 : f32 to vector<16xf32>
          %mul3A_278 = arith.mulf %mul3A_277, %get3A_161 : vector<16xf32>
          %mul3A_279 = vector.broadcast %squeeze3A_78 : f32 to vector<16xf32>
          %mul3A_280 = arith.mulf %mul3A_279, %get3A_168 : vector<16xf32>
          %add3A_281 = arith.addf %mul3A_278, %mul3A_280 : vector<16xf32>
          %mul3A_282 = vector.broadcast %squeeze3A_80 : f32 to vector<16xf32>
          %mul3A_283 = arith.mulf %mul3A_282, %get3A_175 : vector<16xf32>
          %add3A_284 = arith.addf %add3A_281, %mul3A_283 : vector<16xf32>
          %add3A_285 = arith.addf %add3A_284, %get3A_182 : vector<16xf32>
          %mul3A_286 = arith.mulf %get3A_2, %add3A_285 : vector<16xf32>
          %max3A_287 = arith.maximumf %add3A_285, %mul3A_286 : vector<16xf32>
          %mul3A_288 = arith.constant 16 : i32
          %mul3A_289 = arith.muli %scan3A_32, %mul3A_288 : i32
          %add3A_290 = arith.constant 4 : i32
          %add3A_291 = arith.addi %mul3A_289, %add3A_290 : i32
          %mul3A_292 = arith.constant 256 : i32
          %mul3A_293 = arith.muli %add3A_291, %mul3A_292 : i32
          %mul3A_294 = arith.constant 16 : i32
          %mul3A_295 = arith.muli %mul3A_294, %scan3A_155 : i32
          %add3A_296 = arith.addi %mul3A_293, %mul3A_295 : i32
          %swap3A_297 = arith.index_cast %add3A_296 : i32 to index
          %swap3A_298 = tpu.vector_load %arg9[%swap3A_297] {strides = array<i32>} : memref<65536xf32, #tpu.memory_space<vmem>>, vector<16xf32>,
          %swap3A_299 = vector.shape_cast %swap3A_298 : vector<16xf32> to vector<16xf32>
          %swap3A_300 = vector.shape_cast %max3A_287 : vector<16xf32> to vector<16xf32>
          tpu.vector_store %arg9[%swap3A_297], %swap3A_300 {strides = array<i32>} : memref<65536xf32, #tpu.memory_space<vmem>>, vector<16xf32>,
          %mul3A_301 = vector.broadcast %squeeze3A_82 : f32 to vector<16xf32>
          %mul3A_302 = arith.mulf %mul3A_301, %get3A_161 : vector<16xf32>
          %mul3A_303 = vector.broadcast %squeeze3A_84 : f32 to vector<16xf32>
          %mul3A_304 = arith.mulf %mul3A_303, %get3A_168 : vector<16xf32>
          %add3A_305 = arith.addf %mul3A_302, %mul3A_304 : vector<16xf32>
          %mul3A_306 = vector.broadcast %squeeze3A_86 : f32 to vector<16xf32>
          %mul3A_307 = arith.mulf %mul3A_306, %get3A_175 : vector<16xf32>
          %add3A_308 = arith.addf %add3A_305, %mul3A_307 : vector<16xf32>
          %add3A_309 = arith.addf %add3A_308, %get3A_182 : vector<16xf32>
          %mul3A_310 = arith.mulf %get3A_2, %add3A_309 : vector<16xf32>
          %max3A_311 = arith.maximumf %add3A_309, %mul3A_310 : vector<16xf32>
          %mul3A_312 = arith.constant 16 : i32
          %mul3A_313 = arith.muli %scan3A_32, %mul3A_312 : i32
          %add3A_314 = arith.constant 5 : i32
          %add3A_315 = arith.addi %mul3A_313, %add3A_314 : i32
          %mul3A_316 = arith.constant 256 : i32
          %mul3A_317 = arith.muli %add3A_315, %mul3A_316 : i32
          %mul3A_318 = arith.constant 16 : i32
          %mul3A_319 = arith.muli %mul3A_318, %scan3A_155 : i32
          %add3A_320 = arith.addi %mul3A_317, %mul3A_319 : i32
          %swap3A_321 = arith.index_cast %add3A_320 : i32 to index
          %swap3A_322 = tpu.vector_load %arg9[%swap3A_321] {strides = array<i32>} : memref<65536xf32, #tpu.memory_space<vmem>>, vector<16xf32>,
          %swap3A_323 = vector.shape_cast %swap3A_322 : vector<16xf32> to vector<16xf32>
          %swap3A_324 = vector.shape_cast %max3A_311 : vector<16xf32> to vector<16xf32>
          tpu.vector_store %arg9[%swap3A_321], %swap3A_324 {strides = array<i32>} : memref<65536xf32, #tpu.memory_space<vmem>>, vector<16xf32>,
          %mul3A_325 = vector.broadcast %squeeze3A_88 : f32 to vector<16xf32>
          %mul3A_326 = arith.mulf %mul3A_325, %get3A_161 : vector<16xf32>
          %mul3A_327 = vector.broadcast %squeeze3A_90 : f32 to vector<16xf32>
          %mul3A_328 = arith.mulf %mul3A_327, %get3A_168 : vector<16xf32>
          %add3A_329 = arith.addf %mul3A_326, %mul3A_328 : vector<16xf32>
          %mul3A_330 = vector.broadcast %squeeze3A_92 : f32 to vector<16xf32>
          %mul3A_331 = arith.mulf %mul3A_330, %get3A_175 : vector<16xf32>
          %add3A_332 = arith.addf %add3A_329, %mul3A_331 : vector<16xf32>
          %add3A_333 = arith.addf %add3A_332, %get3A_182 : vector<16xf32>
          %mul3A_334 = arith.mulf %get3A_2, %add3A_333 : vector<16xf32>
          %max3A_335 = arith.maximumf %add3A_333, %mul3A_334 : vector<16xf32>
          %mul3A_336 = arith.constant 16 : i32
          %mul3A_337 = arith.muli %scan3A_32, %mul3A_336 : i32
          %add3A_338 = arith.constant 6 : i32
          %add3A_339 = arith.addi %mul3A_337, %add3A_338 : i32
          %mul3A_340 = arith.constant 256 : i32
          %mul3A_341 = arith.muli %add3A_339, %mul3A_340 : i32
          %mul3A_342 = arith.constant 16 : i32
          %mul3A_343 = arith.muli %mul3A_342, %scan3A_155 : i32
          %add3A_344 = arith.addi %mul3A_341, %mul3A_343 : i32
          %swap3A_345 = arith.index_cast %add3A_344 : i32 to index
          %swap3A_346 = tpu.vector_load %arg9[%swap3A_345] {strides = array<i32>} : memref<65536xf32, #tpu.memory_space<vmem>>, vector<16xf32>,
          %swap3A_347 = vector.shape_cast %swap3A_346 : vector<16xf32> to vector<16xf32>
          %swap3A_348 = vector.shape_cast %max3A_335 : vector<16xf32> to vector<16xf32>
          tpu.vector_store %arg9[%swap3A_345], %swap3A_348 {strides = array<i32>} : memref<65536xf32, #tpu.memory_space<vmem>>, vector<16xf32>,
          %mul3A_349 = vector.broadcast %squeeze3A_94 : f32 to vector<16xf32>
          %mul3A_350 = arith.mulf %mul3A_349, %get3A_161 : vector<16xf32>
          %mul3A_351 = vector.broadcast %squeeze3A_96 : f32 to vector<16xf32>
          %mul3A_352 = arith.mulf %mul3A_351, %get3A_168 : vector<16xf32>
          %add3A_353 = arith.addf %mul3A_350, %mul3A_352 : vector<16xf32>
          %mul3A_354 = vector.broadcast %squeeze3A_98 : f32 to vector<16xf32>
          %mul3A_355 = arith.mulf %mul3A_354, %get3A_175 : vector<16xf32>
          %add3A_356 = arith.addf %add3A_353, %mul3A_355 : vector<16xf32>
          %add3A_357 = arith.addf %add3A_356, %get3A_182 : vector<16xf32>
          %mul3A_358 = arith.mulf %get3A_2, %add3A_357 : vector<16xf32>
          %max3A_359 = arith.maximumf %add3A_357, %mul3A_358 : vector<16xf32>
          %mul3A_360 = arith.constant 16 : i32
          %mul3A_361 = arith.muli %scan3A_32, %mul3A_360 : i32
          %add3A_362 = arith.constant 7 : i32
          %add3A_363 = arith.addi %mul3A_361, %add3A_362 : i32
          %mul3A_364 = arith.constant 256 : i32
          %mul3A_365 = arith.muli %add3A_363, %mul3A_364 : i32
          %mul3A_366 = arith.constant 16 : i32
          %mul3A_367 = arith.muli %mul3A_366, %scan3A_155 : i32
          %add3A_368 = arith.addi %mul3A_365, %mul3A_367 : i32
          %swap3A_369 = arith.index_cast %add3A_368 : i32 to index
          %swap3A_370 = tpu.vector_load %arg9[%swap3A_369] {strides = array<i32>} : memref<65536xf32, #tpu.memory_space<vmem>>, vector<16xf32>,
          %swap3A_371 = vector.shape_cast %swap3A_370 : vector<16xf32> to vector<16xf32>
          %swap3A_372 = vector.shape_cast %max3A_359 : vector<16xf32> to vector<16xf32>
          tpu.vector_store %arg9[%swap3A_369], %swap3A_372 {strides = array<i32>} : memref<65536xf32, #tpu.memory_space<vmem>>, vector<16xf32>,
          %mul3A_373 = vector.broadcast %squeeze3A_100 : f32 to vector<16xf32>
          %mul3A_374 = arith.mulf %mul3A_373, %get3A_161 : vector<16xf32>
          %mul3A_375 = vector.broadcast %squeeze3A_102 : f32 to vector<16xf32>
          %mul3A_376 = arith.mulf %mul3A_375, %get3A_168 : vector<16xf32>
          %add3A_377 = arith.addf %mul3A_374, %mul3A_376 : vector<16xf32>
          %mul3A_378 = vector.broadcast %squeeze3A_104 : f32 to vector<16xf32>
          %mul3A_379 = arith.mulf %mul3A_378, %get3A_175 : vector<16xf32>
          %add3A_380 = arith.addf %add3A_377, %mul3A_379 : vector<16xf32>
          %add3A_381 = arith.addf %add3A_380, %get3A_182 : vector<16xf32>
          %mul3A_382 = arith.mulf %get3A_2, %add3A_381 : vector<16xf32>
          %max3A_383 = arith.maximumf %add3A_381, %mul3A_382 : vector<16xf32>
          %mul3A_384 = arith.constant 16 : i32
          %mul3A_385 = arith.muli %scan3A_32, %mul3A_384 : i32
          %add3A_386 = arith.constant 8 : i32
          %add3A_387 = arith.addi %mul3A_385, %add3A_386 : i32
          %mul3A_388 = arith.constant 256 : i32
          %mul3A_389 = arith.muli %add3A_387, %mul3A_388 : i32
          %mul3A_390 = arith.constant 16 : i32
          %mul3A_391 = arith.muli %mul3A_390, %scan3A_155 : i32
          %add3A_392 = arith.addi %mul3A_389, %mul3A_391 : i32
          %swap3A_393 = arith.index_cast %add3A_392 : i32 to index
          %swap3A_394 = tpu.vector_load %arg9[%swap3A_393] {strides = array<i32>} : memref<65536xf32, #tpu.memory_space<vmem>>, vector<16xf32>,
          %swap3A_395 = vector.shape_cast %swap3A_394 : vector<16xf32> to vector<16xf32>
          %swap3A_396 = vector.shape_cast %max3A_383 : vector<16xf32> to vector<16xf32>
          tpu.vector_store %arg9[%swap3A_393], %swap3A_396 {strides = array<i32>} : memref<65536xf32, #tpu.memory_space<vmem>>, vector<16xf32>,
          %mul3A_397 = vector.broadcast %squeeze3A_106 : f32 to vector<16xf32>
          %mul3A_398 = arith.mulf %mul3A_397, %get3A_161 : vector<16xf32>
          %mul3A_399 = vector.broadcast %squeeze3A_108 : f32 to vector<16xf32>
          %mul3A_400 = arith.mulf %mul3A_399, %get3A_168 : vector<16xf32>
          %add3A_401 = arith.addf %mul3A_398, %mul3A_400 : vector<16xf32>
          %mul3A_402 = vector.broadcast %squeeze3A_110 : f32 to vector<16xf32>
          %mul3A_403 = arith.mulf %mul3A_402, %get3A_175 : vector<16xf32>
          %add3A_404 = arith.addf %add3A_401, %mul3A_403 : vector<16xf32>
          %add3A_405 = arith.addf %add3A_404, %get3A_182 : vector<16xf32>
          %mul3A_406 = arith.mulf %get3A_2, %add3A_405 : vector<16xf32>
          %max3A_407 = arith.maximumf %add3A_405, %mul3A_406 : vector<16xf32>
          %mul3A_408 = arith.constant 16 : i32
          %mul3A_409 = arith.muli %scan3A_32, %mul3A_408 : i32
          %add3A_410 = arith.constant 9 : i32
          %add3A_411 = arith.addi %mul3A_409, %add3A_410 : i32
          %mul3A_412 = arith.constant 256 : i32
          %mul3A_413 = arith.muli %add3A_411, %mul3A_412 : i32
          %mul3A_414 = arith.constant 16 : i32
          %mul3A_415 = arith.muli %mul3A_414, %scan3A_155 : i32
          %add3A_416 = arith.addi %mul3A_413, %mul3A_415 : i32
          %swap3A_417 = arith.index_cast %add3A_416 : i32 to index
          %swap3A_418 = tpu.vector_load %arg9[%swap3A_417] {strides = array<i32>} : memref<65536xf32, #tpu.memory_space<vmem>>, vector<16xf32>,
          %swap3A_419 = vector.shape_cast %swap3A_418 : vector<16xf32> to vector<16xf32>
          %swap3A_420 = vector.shape_cast %max3A_407 : vector<16xf32> to vector<16xf32>
          tpu.vector_store %arg9[%swap3A_417], %swap3A_420 {strides = array<i32>} : memref<65536xf32, #tpu.memory_space<vmem>>, vector<16xf32>,
          %mul3A_421 = vector.broadcast %squeeze3A_112 : f32 to vector<16xf32>
          %mul3A_422 = arith.mulf %mul3A_421, %get3A_161 : vector<16xf32>
          %mul3A_423 = vector.broadcast %squeeze3A_114 : f32 to vector<16xf32>
          %mul3A_424 = arith.mulf %mul3A_423, %get3A_168 : vector<16xf32>
          %add3A_425 = arith.addf %mul3A_422, %mul3A_424 : vector<16xf32>
          %mul3A_426 = vector.broadcast %squeeze3A_116 : f32 to vector<16xf32>
          %mul3A_427 = arith.mulf %mul3A_426, %get3A_175 : vector<16xf32>
          %add3A_428 = arith.addf %add3A_425, %mul3A_427 : vector<16xf32>
          %add3A_429 = arith.addf %add3A_428, %get3A_182 : vector<16xf32>
          %mul3A_430 = arith.mulf %get3A_2, %add3A_429 : vector<16xf32>
          %max3A_431 = arith.maximumf %add3A_429, %mul3A_430 : vector<16xf32>
          %mul3A_432 = arith.constant 16 : i32
          %mul3A_433 = arith.muli %scan3A_32, %mul3A_432 : i32
          %add3A_434 = arith.constant 10 : i32
          %add3A_435 = arith.addi %mul3A_433, %add3A_434 : i32
          %mul3A_436 = arith.constant 256 : i32
          %mul3A_437 = arith.muli %add3A_435, %mul3A_436 : i32
          %mul3A_438 = arith.constant 16 : i32
          %mul3A_439 = arith.muli %mul3A_438, %scan3A_155 : i32
          %add3A_440 = arith.addi %mul3A_437, %mul3A_439 : i32
          %swap3A_441 = arith.index_cast %add3A_440 : i32 to index
          %swap3A_442 = tpu.vector_load %arg9[%swap3A_441] {strides = array<i32>} : memref<65536xf32, #tpu.memory_space<vmem>>, vector<16xf32>,
          %swap3A_443 = vector.shape_cast %swap3A_442 : vector<16xf32> to vector<16xf32>
          %swap3A_444 = vector.shape_cast %max3A_431 : vector<16xf32> to vector<16xf32>
          tpu.vector_store %arg9[%swap3A_441], %swap3A_444 {strides = array<i32>} : memref<65536xf32, #tpu.memory_space<vmem>>, vector<16xf32>,
          %mul3A_445 = vector.broadcast %squeeze3A_118 : f32 to vector<16xf32>
          %mul3A_446 = arith.mulf %mul3A_445, %get3A_161 : vector<16xf32>
          %mul3A_447 = vector.broadcast %squeeze3A_120 : f32 to vector<16xf32>
          %mul3A_448 = arith.mulf %mul3A_447, %get3A_168 : vector<16xf32>
          %add3A_449 = arith.addf %mul3A_446, %mul3A_448 : vector<16xf32>
          %mul3A_450 = vector.broadcast %squeeze3A_122 : f32 to vector<16xf32>
          %mul3A_451 = arith.mulf %mul3A_450, %get3A_175 : vector<16xf32>
          %add3A_452 = arith.addf %add3A_449, %mul3A_451 : vector<16xf32>
          %add3A_453 = arith.addf %add3A_452, %get3A_182 : vector<16xf32>
          %mul3A_454 = arith.mulf %get3A_2, %add3A_453 : vector<16xf32>
          %max3A_455 = arith.maximumf %add3A_453, %mul3A_454 : vector<16xf32>
          %mul3A_456 = arith.constant 16 : i32
          %mul3A_457 = arith.muli %scan3A_32, %mul3A_456 : i32
          %add3A_458 = arith.constant 11 : i32
          %add3A_459 = arith.addi %mul3A_457, %add3A_458 : i32
          %mul3A_460 = arith.constant 256 : i32
          %mul3A_461 = arith.muli %add3A_459, %mul3A_460 : i32
          %mul3A_462 = arith.constant 16 : i32
          %mul3A_463 = arith.muli %mul3A_462, %scan3A_155 : i32
          %add3A_464 = arith.addi %mul3A_461, %mul3A_463 : i32
          %swap3A_465 = arith.index_cast %add3A_464 : i32 to index
          %swap3A_466 = tpu.vector_load %arg9[%swap3A_465] {strides = array<i32>} : memref<65536xf32, #tpu.memory_space<vmem>>, vector<16xf32>,
          %swap3A_467 = vector.shape_cast %swap3A_466 : vector<16xf32> to vector<16xf32>
          %swap3A_468 = vector.shape_cast %max3A_455 : vector<16xf32> to vector<16xf32>
          tpu.vector_store %arg9[%swap3A_465], %swap3A_468 {strides = array<i32>} : memref<65536xf32, #tpu.memory_space<vmem>>, vector<16xf32>,
          %mul3A_469 = vector.broadcast %squeeze3A_124 : f32 to vector<16xf32>
          %mul3A_470 = arith.mulf %mul3A_469, %get3A_161 : vector<16xf32>
          %mul3A_471 = vector.broadcast %squeeze3A_126 : f32 to vector<16xf32>
          %mul3A_472 = arith.mulf %mul3A_471, %get3A_168 : vector<16xf32>
          %add3A_473 = arith.addf %mul3A_470, %mul3A_472 : vector<16xf32>
          %mul3A_474 = vector.broadcast %squeeze3A_128 : f32 to vector<16xf32>
          %mul3A_475 = arith.mulf %mul3A_474, %get3A_175 : vector<16xf32>
          %add3A_476 = arith.addf %add3A_473, %mul3A_475 : vector<16xf32>
          %add3A_477 = arith.addf %add3A_476, %get3A_182 : vector<16xf32>
          %mul3A_478 = arith.mulf %get3A_2, %add3A_477 : vector<16xf32>
          %max3A_479 = arith.maximumf %add3A_477, %mul3A_478 : vector<16xf32>
          %mul3A_480 = arith.constant 16 : i32
          %mul3A_481 = arith.muli %scan3A_32, %mul3A_480 : i32
          %add3A_482 = arith.constant 12 : i32
          %add3A_483 = arith.addi %mul3A_481, %add3A_482 : i32
          %mul3A_484 = arith.constant 256 : i32
          %mul3A_485 = arith.muli %add3A_483, %mul3A_484 : i32
          %mul3A_486 = arith.constant 16 : i32
          %mul3A_487 = arith.muli %mul3A_486, %scan3A_155 : i32
          %add3A_488 = arith.addi %mul3A_485, %mul3A_487 : i32
          %swap3A_489 = arith.index_cast %add3A_488 : i32 to index
          %swap3A_490 = tpu.vector_load %arg9[%swap3A_489] {strides = array<i32>} : memref<65536xf32, #tpu.memory_space<vmem>>, vector<16xf32>,
          %swap3A_491 = vector.shape_cast %swap3A_490 : vector<16xf32> to vector<16xf32>
          %swap3A_492 = vector.shape_cast %max3A_479 : vector<16xf32> to vector<16xf32>
          tpu.vector_store %arg9[%swap3A_489], %swap3A_492 {strides = array<i32>} : memref<65536xf32, #tpu.memory_space<vmem>>, vector<16xf32>,
          %mul3A_493 = vector.broadcast %squeeze3A_130 : f32 to vector<16xf32>
          %mul3A_494 = arith.mulf %mul3A_493, %get3A_161 : vector<16xf32>
          %mul3A_495 = vector.broadcast %squeeze3A_132 : f32 to vector<16xf32>
          %mul3A_496 = arith.mulf %mul3A_495, %get3A_168 : vector<16xf32>
          %add3A_497 = arith.addf %mul3A_494, %mul3A_496 : vector<16xf32>
          %mul3A_498 = vector.broadcast %squeeze3A_134 : f32 to vector<16xf32>
          %mul3A_499 = arith.mulf %mul3A_498, %get3A_175 : vector<16xf32>
          %add3A_500 = arith.addf %add3A_497, %mul3A_499 : vector<16xf32>
          %add3A_501 = arith.addf %add3A_500, %get3A_182 : vector<16xf32>
          %mul3A_502 = arith.mulf %get3A_2, %add3A_501 : vector<16xf32>
          %max3A_503 = arith.maximumf %add3A_501, %mul3A_502 : vector<16xf32>
          %mul3A_504 = arith.constant 16 : i32
          %mul3A_505 = arith.muli %scan3A_32, %mul3A_504 : i32
          %add3A_506 = arith.constant 13 : i32
          %add3A_507 = arith.addi %mul3A_505, %add3A_506 : i32
          %mul3A_508 = arith.constant 256 : i32
          %mul3A_509 = arith.muli %add3A_507, %mul3A_508 : i32
          %mul3A_510 = arith.constant 16 : i32
          %mul3A_511 = arith.muli %mul3A_510, %scan3A_155 : i32
          %add3A_512 = arith.addi %mul3A_509, %mul3A_511 : i32
          %swap3A_513 = arith.index_cast %add3A_512 : i32 to index
          %swap3A_514 = tpu.vector_load %arg9[%swap3A_513] {strides = array<i32>} : memref<65536xf32, #tpu.memory_space<vmem>>, vector<16xf32>,
          %swap3A_515 = vector.shape_cast %swap3A_514 : vector<16xf32> to vector<16xf32>
          %swap3A_516 = vector.shape_cast %max3A_503 : vector<16xf32> to vector<16xf32>
          tpu.vector_store %arg9[%swap3A_513], %swap3A_516 {strides = array<i32>} : memref<65536xf32, #tpu.memory_space<vmem>>, vector<16xf32>,
          %mul3A_517 = vector.broadcast %squeeze3A_136 : f32 to vector<16xf32>
          %mul3A_518 = arith.mulf %mul3A_517, %get3A_161 : vector<16xf32>
          %mul3A_519 = vector.broadcast %squeeze3A_138 : f32 to vector<16xf32>
          %mul3A_520 = arith.mulf %mul3A_519, %get3A_168 : vector<16xf32>
          %add3A_521 = arith.addf %mul3A_518, %mul3A_520 : vector<16xf32>
          %mul3A_522 = vector.broadcast %squeeze3A_140 : f32 to vector<16xf32>
          %mul3A_523 = arith.mulf %mul3A_522, %get3A_175 : vector<16xf32>
          %add3A_524 = arith.addf %add3A_521, %mul3A_523 : vector<16xf32>
          %add3A_525 = arith.addf %add3A_524, %get3A_182 : vector<16xf32>
          %mul3A_526 = arith.mulf %get3A_2, %add3A_525 : vector<16xf32>
          %max3A_527 = arith.maximumf %add3A_525, %mul3A_526 : vector<16xf32>
          %mul3A_528 = arith.constant 16 : i32
          %mul3A_529 = arith.muli %scan3A_32, %mul3A_528 : i32
          %add3A_530 = arith.constant 14 : i32
          %add3A_531 = arith.addi %mul3A_529, %add3A_530 : i32
          %mul3A_532 = arith.constant 256 : i32
          %mul3A_533 = arith.muli %add3A_531, %mul3A_532 : i32
          %mul3A_534 = arith.constant 16 : i32
          %mul3A_535 = arith.muli %mul3A_534, %scan3A_155 : i32
          %add3A_536 = arith.addi %mul3A_533, %mul3A_535 : i32
          %swap3A_537 = arith.index_cast %add3A_536 : i32 to index
          %swap3A_538 = tpu.vector_load %arg9[%swap3A_537] {strides = array<i32>} : memref<65536xf32, #tpu.memory_space<vmem>>, vector<16xf32>,
          %swap3A_539 = vector.shape_cast %swap3A_538 : vector<16xf32> to vector<16xf32>
          %swap3A_540 = vector.shape_cast %max3A_527 : vector<16xf32> to vector<16xf32>
          tpu.vector_store %arg9[%swap3A_537], %swap3A_540 {strides = array<i32>} : memref<65536xf32, #tpu.memory_space<vmem>>, vector<16xf32>,
          %mul3A_541 = vector.broadcast %squeeze3A_142 : f32 to vector<16xf32>
          %mul3A_542 = arith.mulf %mul3A_541, %get3A_161 : vector<16xf32>
          %mul3A_543 = vector.broadcast %squeeze3A_144 : f32 to vector<16xf32>
          %mul3A_544 = arith.mulf %mul3A_543, %get3A_168 : vector<16xf32>
          %add3A_545 = arith.addf %mul3A_542, %mul3A_544 : vector<16xf32>
          %mul3A_546 = vector.broadcast %squeeze3A_146 : f32 to vector<16xf32>
          %mul3A_547 = arith.mulf %mul3A_546, %get3A_175 : vector<16xf32>
          %add3A_548 = arith.addf %add3A_545, %mul3A_547 : vector<16xf32>
          %add3A_549 = arith.addf %add3A_548, %get3A_182 : vector<16xf32>
          %mul3A_550 = arith.mulf %get3A_2, %add3A_549 : vector<16xf32>
          %max3A_551 = arith.maximumf %add3A_549, %mul3A_550 : vector<16xf32>
          %mul3A_552 = arith.constant 16 : i32
          %mul3A_553 = arith.muli %scan3A_32, %mul3A_552 : i32
          %add3A_554 = arith.constant 15 : i32
          %add3A_555 = arith.addi %mul3A_553, %add3A_554 : i32
          %mul3A_556 = arith.constant 256 : i32
          %mul3A_557 = arith.muli %add3A_555, %mul3A_556 : i32
          %mul3A_558 = arith.constant 16 : i32
          %mul3A_559 = arith.muli %mul3A_558, %scan3A_155 : i32
          %add3A_560 = arith.addi %mul3A_557, %mul3A_559 : i32
          %swap3A_561 = arith.index_cast %add3A_560 : i32 to index
          %swap3A_562 = tpu.vector_load %arg9[%swap3A_561] {strides = array<i32>} : memref<65536xf32, #tpu.memory_space<vmem>>, vector<16xf32>,
          %swap3A_563 = vector.shape_cast %swap3A_562 : vector<16xf32> to vector<16xf32>
          %swap3A_564 = vector.shape_cast %max3A_551 : vector<16xf32> to vector<16xf32>
          tpu.vector_store %arg9[%swap3A_561], %swap3A_564 {strides = array<i32>} : memref<65536xf32, #tpu.memory_space<vmem>>, vector<16xf32>,
          %scan3A_565 = arith.constant 0 : i32
          scf.yield %scan3A_565 : i32
        }
        %scan3A_153 = arith.constant 16 : i32
        %scan3A_154 = arith.constant 0 : i32
        scf.yield %scan3A_154 : i32
      }
      %scan3A_28 = arith.constant 16 : i32
      %mul3A_29 = arith.constant 256 : i32
      %mul3A_30 = arith.muli %add3A_15, %mul3A_29 : i32
      "tpu.region"() ({
        %run_scoped3A = tpu.sem_alloc : memref<!tpu.dma_semaphore, #tpu.memory_space<semaphore_mem>>
        %dma_start3A = tpu.memref_slice %arg5[%mul3A_30] : memref<67108864xf32, #tpu.memory_space<hbm>> -> memref<65536xf32, #tpu.memory_space<hbm>>
        %dma_start3A_32 = tpu.memref_slice %arg5[%mul3A_30] : memref<67108864xf32, #tpu.memory_space<hbm>> -> memref<65536xf32, #tpu.memory_space<hbm>>
        tpu.enqueue_dma source(%arg9 : memref<65536xf32, #tpu.memory_space<vmem>>) target(%dma_start3A_32 : memref<65536xf32, #tpu.memory_space<hbm>>) target_semaphore(%run_scoped3A : memref<!tpu.dma_semaphore, #tpu.memory_space<semaphore_mem>>)
        %dma_wait3A = tpu.memref_slice %arg5[%mul3A_30] : memref<67108864xf32, #tpu.memory_space<hbm>> -> memref<65536xf32, #tpu.memory_space<hbm>>
        %dma_wait3A_33 = tpu.memref_slice %arg5[%mul3A_30] : memref<67108864xf32, #tpu.memory_space<hbm>> -> memref<65536xf32, #tpu.memory_space<hbm>>
        tpu.wait_dma2 semaphore(%run_scoped3A : memref<!tpu.dma_semaphore, #tpu.memory_space<semaphore_mem>>) src(%arg9 : memref<65536xf32, #tpu.memory_space<vmem>>) dst(%dma_wait3A_33 : memref<65536xf32, #tpu.memory_space<hbm>>)
        tpu.yield
      }) : () -> ()
      %scan3A_31 = arith.constant 0 : i32
      scf.yield %scan3A_31 : i32
    }
    %scan3A_10 = arith.constant 32 : i32
    return
  }
}

</mosaic_0001>

<sc_bundles>
// kernel: kernel.3.cloned.1.call-start
scs
__scs_entry_jumppad:
0x0: {  	(pc) =	sbr.rel $0x88, $3  }
0x1: {  	(tag) =	ssettag $0x0;
	lr =	simm.s32 $0x1  }
0x2: {  	[smem:$0x3F9D] =	sst lr;
	_ =	strace $0xD0000000  }
0x3: {  	_ = 	snop  }
0x4: {  	_ = 	snop  }
0x5: {  	_ = 	snop  }
0x6: {  	_ = 	snop  }
0x7: {  	_ = 	snop  }
__scs_overlays_trampoline_lowered:
0x8: {  	[smem:$0x3FAC] =	sst s0  }
0x9: {  	[smem:$0x3FAD] =	sst s1  }
0xa: {  	[smem:$0x3FAE] =	sst s2  }
0xb: {  	[smem:$0x3FAF] =	sst s3  }
0xc: {  	[smem:$0x3FB0] =	sst s4  }
0xd: {  	[smem:$0x3FB1] =	sst s5  }
0xe: {  	[smem:$0x3FB2] =	sst s6  }
0xf: {  	[smem:$0x3FB3] =	sst s7  }
0x10: {  	[smem:$0x3FB4] =	sst s8  }
0x11: {  	[smem:$0x3FB5] =	sst s9;
	s0 =	simm.s32 @!p0 $0x0  }
0x12: {  	s1 =	sld [smem:$0x3F9B];
	s0 =	simm.s32 @p0 $0x1  }
0x13: {  	[smem:$0x3FB6] =	sst s0;
	s0 =	simm.s32 @!p1 $0x0  }
0x14: {  	s2 =	sld [smem:$0x3F9A];
	s0 =	simm.s32 @p1 $0x1  }
0x15: {  	[smem:$0x3FB7] =	sst s0;
	s0 =	simm.s32 @!p2 $0x0  }
0x16: {  	s3 =	sld [smem:$0x3FDB];
	s0 =	simm.s32 @p2 $0x1  }
0x17: {  	s4 =	simm.s32 $0x1BF5;
	[smem:$0x3FB9] =	sst s0  }
0x18: {  	s0 =	sld [smem:$0x3F9C];
	_ =	swait.ge [sflag:s4], $0x0  }
0x19: {  	s7 =	sld [smem:$0x3F9D]  }
0x1a: {  	s8 =	sadd.s32 $0xFFFFE003, lr  }
0x1b: {  	s9 =	sadd.s32 $0xFFFFFEF7, lr;
	s5 =	simm.s32 $0xFFFFFFFF;
	p2 =	slt.u32 s8, $0xFFFFF086  }
0x1c: {  	p1 =	slt.u32 s9, $0xF7A;
	s5 =	simm.s32 @!p2 $0x0  }
0x1d: {  	s5 =	simm.s32 @p1 $0x1;
	p0 =	seq.s32 s7, s2  }
0x1e: {  	s7 =	smul.u32 @!p0 $0xF7A, s2;
	p2 =	seq.s32 @!p0 s5, $0x0  }
0x1f: {  	s9 =	smul.u32 $0xF7A, s1;
	s8 =	simm.s32 @!p0 $0x1BF5;
	p2 =	por !p2, p0  }
0x20: {  	[sflag:s8] =	ssyncset.s32 @!p0 $0xFFFFF086;
	s6 =	sadd.s32 @!p0 s3, s7;
	s7 =	simm.s32 @!p0 $0x108  }
0x21: {  	s3 =	sadd.s32 s3, s9;
	s6 =	sadd.s32 @!p0 $0x88, s6;
	s7 =	simm.s32 @p2 $0x1082  }
0x22: {  	[simem:s7], [sflag:s8] =	dma.local @!p0 [hbm:s6], $0xF7A  }
0x23: {  	s9 =	sor.u32 $0xD0000000, s2;
	s6 =	simm.s32 $0x108;
	_ =	swait.ge @!p0 [sflag:s8], $0x0  }
0x24: {  	s3 =	sadd.s32 $0x88, s3;
	s6 =	simm.s32 @!p1 $0x1082;
	[sflag:s4] =	ssyncset.s32 $0xFFFFF086  }
0x25: {  	[simem:s6], [sflag:s4] =	dma.local [hbm:s3], $0xF7A  }
0x26: {  	[smem:$0x3F9D] =	sst s1;
	(tag) =	ssettag s2;
	_ =	strace s9  }
0x27: {  	s1 =	sld [smem:$0x3FAD]  }
0x28: {  	s2 =	sld [smem:$0x3FAE]  }
0x29: {  	s4 =	sld [smem:$0x3FB0]  }
0x2a: {  	p0 =	seq.s32 s5, $0x0;
	s5 =	sld [smem:$0x3FB1]  }
0x2b: {  	s6 =	sld [smem:$0x3FB2]  }
0x2c: {  	s7 =	sld [smem:$0x3FB3]  }
0x2d: {  	s3 =	simm.s32 $0x108;
	s8 =	sld [smem:$0x3FB4]  }
0x2e: {  	s3 =	simm.s32 @!p0 $0x1082;
	s9 =	sld [smem:$0x3FB5]  }
0x2f: {  	lr =	sadd.s32 s0, s3;
	s0 =	sld [smem:$0x3FAC]  }
0x30: {  	s3 =	sld [smem:$0x3FAF]  }
0x31: {  	[smem:$0x3FB8] =	sst s10  }
0x32: {  	s10 =	sld [smem:$0x3FB6];
	_ =	sdelay $0x3  }
0x33: {  	p0 =	seq.s32 s10, $0x1;
	s10 =	sld [smem:$0x3FB8];
	_ =	sdelay $0x3  }
0x34: {  	[smem:$0x3FB8] =	sst s10  }
0x35: {  	s10 =	sld [smem:$0x3FB7];
	_ =	sdelay $0x3  }
0x36: {  	p1 =	seq.s32 s10, $0x1;
	s10 =	sld [smem:$0x3FB8];
	_ =	sdelay $0x3  }
0x37: {  	[smem:$0x3FB8] =	sst s10  }
0x38: {  	s10 =	sld [smem:$0x3FB9]  }
0x39: {  	_ = 	snop;
	(pc) =	sbr.ind lr, $3  }
0x3a: {  	_ = 	snop  }
0x3b: {  	_ = 	snop  }
0x3c: {  	p2 =	seq.s32 s10, $0x1;
	s10 =	sld [smem:$0x3FB8]  }
0x3d: {  	_ =	shalt  }
0x3e: {  	_ =	shalt  }
0x3f: {  	_ =	shalt  }
0x40: {  	_ =	shalt  }
0x41: {  	_ =	shalt  }
0x42: {  	_ =	shalt  }
0x43: {  	_ =	shalt  }
0x44: {  	_ =	shalt  }
0x45: {  	_ =	shalt  }
0x46: {  	_ =	shalt  }
0x47: {  	_ =	shalt  }
0x48: {  	_ =	shalt  }
0x49: {  	_ =	shalt  }
0x4a: {  	_ =	shalt  }
0x4b: {  	_ =	shalt  }
0x4c: {  	_ =	shalt  }
0x4d: {  	_ =	shalt  }
0x4e: {  	_ =	shalt  }
0x4f: {  	_ =	shalt  }
0x50: {  	_ =	shalt  }
0x51: {  	_ =	shalt  }
0x52: {  	_ =	shalt  }
0x53: {  	_ =	shalt  }
0x54: {  	_ =	shalt  }
0x55: {  	_ =	shalt  }
0x56: {  	_ =	shalt  }
0x57: {  	_ =	shalt  }
0x58: {  	_ =	shalt  }
0x59: {  	_ =	shalt  }
0x5a: {  	_ =	shalt  }
0x5b: {  	_ =	shalt  }
0x5c: {  	_ =	shalt  }
0x5d: {  	_ =	shalt  }
0x5e: {  	_ =	shalt  }
0x5f: {  	_ =	shalt  }
0x60: {  	_ =	shalt  }
0x61: {  	_ =	shalt  }
0x62: {  	_ =	shalt  }
0x63: {  	_ =	shalt  }
0x64: {  	_ =	shalt  }
0x65: {  	_ =	shalt  }
0x66: {  	_ =	shalt  }
0x67: {  	_ =	shalt  }
0x68: {  	_ =	shalt  }
0x69: {  	_ =	shalt  }
0x6a: {  	_ =	shalt  }
0x6b: {  	_ =	shalt  }
0x6c: {  	_ =	shalt  }
0x6d: {  	_ =	shalt  }
0x6e: {  	_ =	shalt  }
0x6f: {  	_ =	shalt  }
0x70: {  	_ =	shalt  }
0x71: {  	_ =	shalt  }
0x72: {  	_ =	shalt  }
0x73: {  	_ =	shalt  }
0x74: {  	_ =	shalt  }
0x75: {  	_ =	shalt  }
0x76: {  	_ =	shalt  }
0x77: {  	_ =	shalt  }
0x78: {  	_ =	shalt  }
0x79: {  	_ =	shalt  }
0x7a: {  	_ =	shalt  }
0x7b: {  	_ =	shalt  }
0x7c: {  	_ =	shalt  }
0x7d: {  	_ =	shalt  }
0x7e: {  	_ =	shalt  }
0x7f: {  	_ =	shalt  }
0x80: {  	_ =	shalt  }
0x81: {  	_ =	shalt  }
0x82: {  	_ =	shalt  }
0x83: {  	_ =	shalt  }
0x84: {  	_ =	shalt  }
0x85: {  	_ =	shalt  }
0x86: {  	_ =	shalt  }
0x87: {  	_ =	shalt  }
.Lfunc_end0:
.L_simem_size_0:
called_computation_lowered:
.L_overlay_start_0:
0x88: {  	s2 =	sld [smem:$0x3FD9]  }
0x89: {  	s3 =	sld [smem:$0x3FFE];
	_ =	sdelay $0x1  }
0x8a: {  	s1 =	srdreg.scid  }
0x8b: {  	s0 =	sand.u32 $0x1, s1  }
0x8c: {  	s17 =	sshll.u32 s0, $0xA;
	s2 =	sadd.s32 s3, s2  }
0x8d: {  	s2 =	sadd.s32 s2, s17  }
0x8e: {  	[smem:$0x3FC4] =	sst s2  }
0x8f: {  	_ = 	snop  }
0x90: {  	s2 =	sld [smem:$0x3FD0];
	(tm) =	ssettm $0x1  }
0x91: {  	s18 =	sld [smem:$0x3FFB];
	_ =	sdelay $0x3  }
0x92: {  	_ =	strace s18  }
0x93: {  	s3 =	sld [smem:$0x3FFC];
	_ =	sdelay $0x3  }
0x94: {  	_ =	strace s3  }
0x95: {  	s3 =	sld [smem:$0x3FFD];
	_ =	sdelay $0x3  }
0x96: {  	_ =	strace s3  }
0x97: {  	_ =	strace $0x8FFFFFFF  }
0x98: {  	s19 =	sld [smem:$0x3FDB];
	_ =	sdelay $0x1  }
0x99: {  	s4 =	simm.s32 $_scs_section_size  }
0x9a: {  	s5 =	simm.s32 $_size__tile_overlayer_lowered;
	s6 =	simm.s32 $_tile_overlayer_lowered  }
0x9b: {  	s22 =	simm.s32 $0x1BFF;
	s21 =	sshll.u32 s6, $0x1;
	s3 =	sadd.s32 s4, s19  }
0x9c: {  	s7 =	simm.s32 $0x0;
	s20 =	sshll.u32 s5, $0x1;
	s5 =	sadd.s32 s21, s3  }
0x9d: {  	[timem:s7], [sflag:s22] =	dma.local [hbm:s5], s20  }
0x9e: {  	_ =	swait.ge [sflag:s22], s20  }
0x9f: {  	s4 =	ssub.s32 $0x0, s20;
	[sflag:s22] =	ssyncset.done $0x0  }
0xa0: {  	[sflag:s22] =	ssyncadd.s32 s4;
	_ =	sdelay $0x1  }
0xa1: {  	s23 =	simm.s32 $0x1B8B  }
0xa2: {  	_ =	swait.ge [sflag:s23], $0x1  }
0xa3: {  	[sflag:s23] =	ssyncset.done $0x0  }
0xa4: {  	s25 =	simm.s32 $0x1B8E;
	s24 =	sld [smem:$0x3FFE];
	[sflag:s23] =	ssyncadd.s32 $0xFFFFFFFF  }
0xa5: {  	s26 =	simm.s32 $execute0_lowered;
	[smem:$0x3FD2] =	sst s25  }
0xa6: {  	s5 =	sshll.u32 s26, $0x1;
	_ =	strace $0x80000046;
	[dreg:$0x1] =	wrdreg $0xFFFFFFFF  }
0xa7: {  	s28 =	simm.s32 $_size_execute0_lowered;
	s3 =	sadd.s32 s3, s5;
	[dreg:$0x0] =	wrdreg $0x0  }
0xa8: {  	s5 =	sshll.u32 s28, $0x1;
	[dreg:$0x2] =	wrdreg s3  }
0xa9: {  	[dreg:$0x3] =	wrdreg s5  }
0xaa: {  	[dreg:$0x4] =	wrdreg $0xC0  }
0xab: {  	_ =	task [dreg:s7], $0x5FFFF  }
0xac: {  	[dreg:$0x1] =	wrdreg $0xFFFFFFFF  }
0xad: {  	[dreg:$0x0] =	wrdreg $0x60  }
0xae: {  	[dreg:$0x2] =	wrdreg s2  }
0xaf: {  	[dreg:$0x3] =	wrdreg s24  }
0xb0: {  	[dreg:$0x4] =	wrdreg $0x9  }
0xb1: {  	_ =	task.clear_ibuf [dreg:s7], $0x5FFFF;
	_ =	strace $0x90000046  }
0xb2: {  	s29 =	simm.s32 $0x9;
	_ =	strace $0x80000048  }
0xb3: {  	_ =	swait.ge [sflag:s29], $0x1  }
0xb4: {  	[sflag:s29] =	ssyncadd.s32 $0xFFFFFFFF  }
0xb5: {  	_ =	strace $0x90000048  }
0xb6: {  	_ =	sfence  }
0xb7: {  	s30 =	sld [smem:$0x0];
	_ =	sdelay $0x2  }
0xb8: {  	s31 =	sshll.u32 s1, $0xD;
	s1 =	sshrl.u32 s1, $0x2  }
0xb9: {  	s3 =	sand.u32 $0x4000, s31;
	s1 =	sadd.s32 s1, s30  }
0xba: {  	s0 =	sor.u32 s3, s0;
	s1 =	sshll.u32 s1, $0x11  }
0xbb: {  	s0 =	sor.u32 s1, s0  }
0xbc: {  	s0 =	sadd.s32 $0x8F2B, s0  }
0xbd: {  	[sflag:s0] =	ssyncadd.remote.s32 $0x1  }
0xbe: {  	_ =	sfence.sel $0xFFFF  }
0xbf: {  	[dreg:$0x0] =	wrdreg $0xFFFFFFFF;
	(pc) =	sbr.abs _section_cstart, $3  }
0xc0: {  	[dreg:$0x1] =	wrdreg $0xFFFFFFFF  }
0xc1: {  	_ =	task.clear_ibuf [dreg:s7], $0x2FFFF;
	_ =	strace $0x9FFFFFFF  }
0xc2: {  	(tm) =	ssettm $0x7FFFFFFF  }
0xc3: {  	_ =	shalt  }
tec
execute0_lowered:
.L_overlay_start_1:
0x0: {  	(tag) =	ssettag $0x1  }
0x1: {  	s1 =	rddreg [dreg:$0x0]  }
0x2: {  	s3 =	rddreg [dreg:$0x1]  }
0x3: {  	s0 =	rddreg [dreg:$0x2];
	s2 =	simm.s32 $0x0;
	s6 =	srdreg.scid  }
0x4: {  	s12 =	simm.s32 $0x1;
	s13 =	simm.s32 $0x700;
	s14 =	simm.s32 $0x100  }
0x5: {  	s15 =	simm.s32 $0x200;
	s16 =	simm.s32 $0x780;
	s17 =	simm.s32 $0x0  }
0x6: {  	s20 =	simm.s32 $0x0;
	[smem:$0x7FF] =	sst s2;
	s4 =	sadd.s32 $0x400, s3  }
0x7: {  	s5 =	sadd.s32 $0x600, s3;
	s7 =	sand.u32 $0x1, s6;
	s6 =	sadd.s32 $0x800, s3  }
0x8: {  	s3 =	stileid.u32;
	_ =	strace $0x80000047;
	s8 =	ssub.s32 $0x2, s7  }
0x9: {  	s10 =	sshll.u32 s3, $0xE;
	s7 =	sshll.u32 s7, $0xD;
	s9 =	sshrl.u32 s8, $0x1  }
0xa: {  	s7 =	sor.u32 s7, s10;
	s11 =	ssub.s32 s8, s9;
	s8 =	sadd.s32 $0x8000, s1  }
0xb: {  	s9 =	sadd.s32 $0x10000, s1;
	s10 =	smax.u32 s11, $0x1;
	s11 =	simm.s32 $0x300  }
.LBB2_1:
0xc: {  	[tilespmem:s11], [sflag:$0x1] =	stream.linear.gather [hbm4b:s4+s2], $0x400, $0x38;
	[tilespmem:$0x10780] =	vst v63  }
0xd: {  	_ =	swait.ge [sflag:s12], $0x400  }
0xe: {  	[sflag:s12] =	ssyncset.done $0x0  }
0xf: {  	[sflag:s12] =	ssyncadd.s32 $0xFFFFFC00  }
0x10: {  	[tilespmem:s13], [sflag:$0x1] =	stream.linear.gather [hbm4b:s5+s2], $0x80, $0x38;
	[tilespmem:$0x10780] =	vst v63  }
0x11: {  	_ =	swait.ge [sflag:s12], $0x80  }
0x12: {  	[sflag:s12] =	ssyncset.done $0x0  }
0x13: {  	[sflag:s12] =	ssyncadd.s32 $0xFFFFFF80  }
0x14: {  	s18 =	simm.s32 $0x0;
	v0 =	vld [tilespmem:$0x700]  }
.LBB2_2:
0x15: {  	s19 =	sshll.u32 s18, $0x8  }
0x16: {  	s19 =	sadd.s32 s7, s19  }
0x17: {  	s21 =	sshrl.u32 s19, $0x3  }
0x18: {  	s22 =	sadd.s32 s1, s21  }
0x19: {  	[tilespmem:s20], [sflag:$0x1] =	stream.linear.gather [hbm4b:s22+s20], $0x100, $0x38;
	[tilespmem:$0x10780] =	vst v63  }
0x1a: {  	_ =	swait.ge [sflag:s12], $0x100  }
0x1b: {  	[sflag:s12] =	ssyncset.done $0x0  }
0x1c: {  	s31 =	sadd.s32 s21, s8;
	[sflag:s12] =	ssyncadd.s32 $0xFFFFFF00  }
0x1d: {  	[tilespmem:s14], [sflag:$0x1] =	stream.linear.gather [hbm4b:s31+s20], $0x100, $0x38;
	[tilespmem:$0x10780] =	vst v63  }
0x1e: {  	_ =	swait.ge [sflag:s12], $0x100  }
0x1f: {  	[sflag:s12] =	ssyncset.done $0x0  }
0x20: {  	s21 =	sadd.s32 s21, s9;
	[sflag:s12] =	ssyncadd.s32 $0xFFFFFF00  }
0x21: {  	[tilespmem:s15], [sflag:$0x1] =	stream.linear.gather [hbm4b:s21+s20], $0x100, $0x38;
	[tilespmem:$0x10780] =	vst v63  }
0x22: {  	_ =	swait.ge [sflag:s12], $0x100  }
0x23: {  	[sflag:s12] =	ssyncset.done $0x0  }
0x24: {  	s21 =	simm.s32 $0x0;
	[sflag:s12] =	ssyncadd.s32 $0xFFFFFF00  }
.LBB2_3:
0x25: {  	s22 =	sshll.u32 s21, $0x4  }
0x26: {  	v1 =	vld [tilespmem:s22+$0x0];
	s22 =	sand.u32 $0xF0, s22  }
0x27: {  	v3 =	vld [tilespmem:s22+$0x200];
	_ =	sdelay $0x3  }
0x28: {  	v2 =	vld [tilespmem:s22+$0x100]  }
0x29: {  	v4 =	vbroadcast v3, $0x2;
	_ =	sdelay $0x1  }
0x2a: {  	[tilespmem:$0x1FED0] =	vst v4;
	v4 =	vbroadcast v1, $0x3;
	_ =	sdelay $0x1  }
0x2b: {  	[tilespmem:$0x1FEE0] =	vst v4;
	v4 =	vbroadcast v2, $0x3;
	_ =	sdelay $0x1  }
0x2c: {  	[tilespmem:$0x1FEF0] =	vst v4;
	v4 =	vbroadcast v3, $0x3;
	_ =	sdelay $0x1  }
0x2d: {  	[tilespmem:$0x1FF00] =	vst v4;
	v4 =	vbroadcast v1, $0x4;
	_ =	sdelay $0x1  }
0x2e: {  	[tilespmem:$0x1FF10] =	vst v4;
	v4 =	vbroadcast v2, $0x4  }
0x2f: {  	v5 =	vbroadcast v1, $0x0  }
0x30: {  	v7 =	vbroadcast v1, $0x1;
	[tilespmem:$0x1FF20] =	vst v4;
	v4 =	vbroadcast v2, $0x5  }
0x31: {  	v11 =	vbroadcast v1, $0x2;
	v30 =	vbroadcast v1, $0x5  }
0x32: {  	v32 =	vbroadcast v1, $0x6;
	[tilespmem:$0x1FF30] =	vst v4;
	v4 =	vbroadcast v2, $0x6  }
0x33: {  	v38 =	vbroadcast v1, $0x9;
	v35 =	vbroadcast v1, $0xA  }
0x34: {  	v34 =	vbroadcast v1, $0xB;
	[tilespmem:$0x1FF40] =	vst v4;
	v4 =	vbroadcast v3, $0x6  }
0x35: {  	v45 =	vbroadcast v1, $0xD;
	v36 =	vbroadcast v1, $0xE  }
0x36: {  	v47 =	vbroadcast v1, $0xF;
	[tilespmem:$0x1FF50] =	vst v4;
	v4 =	vbroadcast v1, $0x7  }
0x37: {  	v6 =	vbroadcast v2, $0x0;
	v8 =	vbroadcast v3, $0x0  }
0x38: {  	v9 =	vbroadcast v2, $0x1;
	[tilespmem:$0x1FF60] =	vst v4;
	v4 =	vbroadcast v2, $0x7  }
0x39: {  	v10 =	vbroadcast v3, $0x1;
	v12 =	vbroadcast v2, $0x2  }
0x3a: {  	v29 =	vbroadcast v3, $0x4;
	[tilespmem:$0x1FF70] =	vst v4;
	v4 =	vbroadcast v1, $0x8  }
0x3b: {  	v31 =	vbroadcast v3, $0x5;
	v33 =	vbroadcast v3, $0x7  }
0x3c: {  	v39 =	vbroadcast v3, $0x8;
	[tilespmem:$0x1FF80] =	vst v4;
	v4 =	vbroadcast v2, $0x8  }
0x3d: {  	s26 =	sand.u32 $0x80, s20;
	s25 =	sand.u32 $0x70, s20;
	s22 =	simm.s32 $0x300;
	v40 =	vbroadcast v3, $0x9;
	v41 =	vbroadcast v2, $0xA  }
0x3e: {  	s23 =	sor.u32 s25, s26;
	v50 =	vld [tilespmem:s22+$0x0];
	v42 =	vbroadcast v3, $0xB;
	[tilespmem:$0x1FF90] =	vst v4;
	v4 =	vbroadcast v2, $0x9  }
0x3f: {  	v52 =	vld [tilespmem:s23+$0x400];
	v44 =	vbroadcast v3, $0xC;
	v46 =	vbroadcast v3, $0xD  }
0x40: {  	v60 =	vld [tilespmem:s23+$0x500];
	v37 =	vbroadcast v2, $0xE;
	[tilespmem:$0x1FFA0] =	vst v4;
	v4 =	vbroadcast v3, $0xA  }
0x41: {  	v43 =	vbroadcast v3, $0xE;
	v48 =	vbroadcast v2, $0xF  }
0x42: {  	v49 =	vbroadcast v3, $0xF;
	[tilespmem:$0x1FFB0] =	vst v4;
	v4 =	vbroadcast v2, $0xB  }
0x43: {  	v63 =	vmul.f32 v50, v30;
	v59 =	vmul.f32 v50, v45  }
0x44: {  	v58 =	vmul.f32 v52, v41;
	[tilespmem:$0x1FFC0] =	vst v4;
	v4 =	vbroadcast v1, $0xC  }
0x45: {  	v55 =	vmul.f32 v60, v40;
	v54 =	vmul.f32 v60, v46  }
0x46: {  	v53 =	vmul.f32 v60, v8;
	[tilespmem:$0x1FFD0] =	vst v4;
	v4 =	vbroadcast v2, $0xC  }
0x47: {  	v51 =	vmul.f32 v60, v31;
	v56 =	vmul.f32 v60, v29  }
0x48: {  	v61 =	vmul.f32 v60, v42;
	[tilespmem:$0x1FFE0] =	vst v4;
	v4 =	vbroadcast v2, $0xD  }
0x49: {  	v22 =	vmov v6;
	v2 =	vmul.f32 v52, v6;
	v6 =	vmul.f32 v50, v7  }
0x4a: {  	v21 =	vmov v5;
	[tilespmem:$0x1FFF0] =	vst v4;
	v4 =	vmul.f32 v50, v5;
	v5 =	vmul.f32 v52, v9  }
0x4b: {  	v14 =	vld [tilespmem:s23+$0x600];
	v62 =	vmul.f32 v60, v44;
	v3 =	vmul.f32 v50, v47  }
0x4c: {  	v24 =	vmovc v7;
	v7 =	vmul.f32 v60, v10;
	v6 =	vadd.f32 v5, v6;
	v2 =	vadd.f32 v2, v4  }
0x4d: {  	s31 =	sshll.u32 s21, $0xC;
	v1 =	vmul.f32 v60, v49;
	v5 =	vmul.f32 v52, v48  }
0x4e: {  	s23 =	sand.u32 $0x3FFFF000, s31;
	v27 =	vmovc v11;
	v4 =	vmul.f32 v50, v11;
	v6 =	vadd.f32 v7, v6;
	v53 =	vadd.f32 v53, v2  }
0x4f: {  	s23 =	sor.u32 $0x780, s23;
	v25 =	vmovc v9;
	v26 =	vmovc v10;
	v23 =	vmov v8;
	v2 =	vmul.f32 v50, v32;
	v7 =	vmul.f32 v52, v12  }
0x50: {  	s24 =	simm.s32 $0x10;
	s26 =	sadd.s32 s26, s23;
	v28 =	vmovc v12;
	v57 =	vadd.f32 v6, v14;
	v6 =	vadd.f32 v53, v14;
	v53 =	vmul.f32 v60, v39  }
.LBB2_4:
0x51: {  	v8 =	vld [tilespmem:$0x1FED0];
	v3 =	vadd.f32 v5, v3  }
0x52: {  	v12 =	vld [tilespmem:$0x1FEF0]  }
0x53: {  	v1 =	vadd.f32 v1, v3;
	v3 =	vld [tilespmem:$0x1FEE0]  }
0x54: {  	v9 =	vld [tilespmem:$0x1FF20]  }
0x55: {  	v18 =	vld [tilespmem:$0x1FF40]  }
0x56: {  	v16 =	vld [tilespmem:$0x1FF60];
	v11 =	vmul.f32 v6, v0  }
0x57: {  	v17 =	vld [tilespmem:$0x1FF50]  }
0x58: {  	v19 =	vld [tilespmem:$0x1FFB0];
	s29 =	sadd.s32 s25, s26;
	v6 =	vmax.f32 v6, v11;
	v12 =	vmul.f32 v52, v12;
	v3 =	vmul.f32 v50, v3  }
0x59: {  	[tilespmem:s29+$0x0] =	vst v6;
	v6 =	vld [tilespmem:$0x1FF10]  }
0x5a: {  	v4 =	vadd.f32 v7, v4;
	v8 =	vmul.f32 v60, v8;
	v3 =	vadd.f32 v12, v3;
	v12 =	vld [tilespmem:$0x1FFC0]  }
0x5b: {  	v13 =	vmul.f32 v60, v43;
	v11 =	vmul.f32 v52, v18;
	v18 =	vld [tilespmem:$0x1FF70]  }
0x5c: {  	v15 =	vmul.f32 v50, v34;
	v7 =	vmul.f32 v50, v35;
	v4 =	vadd.f32 v8, v4;
	v8 =	vld [tilespmem:$0x1FF30]  }
0x5d: {  	v5 =	vmul.f32 v60, v33;
	v2 =	vadd.f32 v11, v2;
	v11 =	vmul.f32 v60, v19;
	v19 =	vld [tilespmem:$0x1FF00]  }
0x5e: {  	v7 =	vadd.f32 v58, v7;
	v9 =	vmul.f32 v52, v9;
	v17 =	vmul.f32 v60, v17  }
0x5f: {  	v1 =	vadd.f32 v1, v14;
	v6 =	vmul.f32 v50, v6;
	v12 =	vmul.f32 v52, v12  }
0x60: {  	v58 =	vld [tilespmem:$0x1FFD0];
	v16 =	vmul.f32 v50, v16;
	v7 =	vadd.f32 v11, v7;
	v2 =	vadd.f32 v17, v2  }
0x61: {  	v18 =	vmul.f32 v52, v18;
	v6 =	vadd.f32 v9, v6;
	v12 =	vadd.f32 v12, v15;
	v15 =	vld [tilespmem:$0x1FFE0]  }
0x62: {  	v7 =	vadd.f32 v7, v14;
	v8 =	vmul.f32 v52, v8;
	v60 =	vmul.f32 v60, v19;
	v19 =	vld [tilespmem:$0x1FFA0]  }
0x63: {  	v10 =	vmul.f32 v50, v38;
	v2 =	vadd.f32 v2, v14;
	v16 =	vadd.f32 v18, v16  }
0x64: {  	v18 =	vmul.f32 v50, v36;
	v8 =	vadd.f32 v8, v63;
	v63 =	vmul.f32 v52, v37  }
0x65: {  	v58 =	vmul.f32 v50, v58;
	v5 =	vadd.f32 v5, v16;
	v3 =	vadd.f32 v60, v3  }
0x66: {  	v20 =	vld [tilespmem:$0x1FFF0];
	v18 =	vadd.f32 v63, v18;
	v63 =	vmul.f32 v1, v0;
	v15 =	vmul.f32 v52, v15  }
0x67: {  	v5 =	vadd.f32 v5, v14;
	v8 =	vadd.f32 v51, v8;
	v19 =	vmul.f32 v52, v19  }
0x68: {  	v13 =	vadd.f32 v13, v18;
	v18 =	vadd.f32 v15, v58;
	v15 =	vld [tilespmem:$0x1FF90]  }
0x69: {  	v3 =	vadd.f32 v3, v14;
	v1 =	vmax.f32 v1, v63;
	v10 =	vadd.f32 v19, v10  }
0x6a: {  	v8 =	vadd.f32 v8, v14;
	v12 =	vadd.f32 v61, v12;
	[tilespmem:s29+$0xF00] =	vst v1;
	v1 =	vmul.f32 v57, v0  }
0x6b: {  	v20 =	vmul.f32 v52, v20;
	v13 =	vadd.f32 v13, v14;
	v10 =	vadd.f32 v55, v10;
	v55 =	vld [tilespmem:$0x1FF80]  }
0x6c: {  	v61 =	vmul.f32 v5, v0;
	v1 =	vmax.f32 v57, v1;
	v9 =	vadd.f32 v62, v18  }
0x6d: {  	v58 =	vmul.f32 v13, v0;
	v15 =	vmul.f32 v52, v15;
	v52 =	vadd.f32 v20, v59  }
0x6e: {  	v5 =	vmax.f32 v5, v61;
	v10 =	vadd.f32 v10, v14;
	v9 =	vadd.f32 v9, v14  }
0x6f: {  	[tilespmem:s29+$0x100] =	vst v1;
	v59 =	vmax.f32 v13, v58;
	v13 =	vmul.f32 v7, v0;
	v18 =	vadd.f32 v54, v52  }
0x70: {  	v1 =	vadd.f32 v56, v6;
	[tilespmem:s29+$0x700] =	vst v5;
	v11 =	vmul.f32 v50, v55;
	v6 =	vmul.f32 v9, v0  }
0x71: {  	v20 =	vmul.f32 v10, v0;
	[tilespmem:s29+$0xE00] =	vst v59;
	v7 =	vmax.f32 v7, v13;
	v18 =	vadd.f32 v18, v14  }
0x72: {  	v60 =	vadd.f32 v15, v11;
	v6 =	vmax.f32 v9, v6;
	[tilespmem:s29+$0xA00] =	vst v7;
	v7 =	vmul.f32 v3, v0  }
0x73: {  	v1 =	vadd.f32 v1, v14;
	v10 =	vmax.f32 v10, v20;
	[tilespmem:s29+$0xC00] =	vst v6;
	v6 =	vmul.f32 v18, v0  }
0x74: {  	[tilespmem:s29+$0x900] =	vst v10;
	v62 =	vadd.f32 v53, v60;
	v3 =	vmax.f32 v3, v7;
	v7 =	vmul.f32 v2, v0  }
0x75: {  	v4 =	vadd.f32 v4, v14;
	[tilespmem:s29+$0x300] =	vst v3;
	v3 =	vmul.f32 v1, v0;
	v6 =	vmax.f32 v18, v6  }
0x76: {  	v5 =	vadd.f32 v62, v14;
	v2 =	vmax.f32 v2, v7;
	[tilespmem:s29+$0xD00] =	vst v6;
	v6 =	vmul.f32 v8, v0  }
0x77: {  	v63 =	vadd.f32 v12, v14;
	v1 =	vmax.f32 v1, v3;
	[tilespmem:s29+$0x600] =	vst v2;
	v3 =	vmul.f32 v4, v0  }
0x78: {  	[tilespmem:s29+$0x400] =	vst v1;
	v6 =	vmax.f32 v8, v6;
	v8 =	vmul.f32 v5, v0  }
0x79: {  	v1 =	vmax.f32 v4, v3;
	[tilespmem:s29+$0x500] =	vst v6;
	v6 =	vmul.f32 v63, v0  }
0x7a: {  	s28 =	smov.u32 s24;
	[tilespmem:s29+$0x200] =	vst v1;
	v2 =	vmax.f32 v5, v8  }
0x7b: {  	s31 =	sand.u32 $0x80, s28;
	s25 =	sand.u32 $0x70, s28;
	[tilespmem:s29+$0x800] =	vst v2;
	v2 =	vmax.f32 v63, v6  }
0x7c: {  	s28 =	sor.u32 s25, s31;
	[tilespmem:s29+$0xB00] =	vst v2  }
0x7d: {  	s22 =	sadd.s32 $0x10, s22;
	v52 =	vld [tilespmem:s28+$0x400]  }
0x7e: {  	v50 =	vld [tilespmem:s22+$0x0];
	_ =	sdelay $0x1  }
0x7f: {  	v60 =	vld [tilespmem:s28+$0x500];
	_ =	sdelay $0x1  }
0x80: {  	v2 =	vmul.f32 v52, v22  }
0x81: {  	v58 =	vmul.f32 v52, v41;
	v4 =	vmul.f32 v50, v21  }
0x82: {  	v5 =	vmul.f32 v52, v25;
	v6 =	vmul.f32 v50, v24  }
0x83: {  	v1 =	vmul.f32 v60, v49;
	v55 =	vmul.f32 v60, v40  }
0x84: {  	v3 =	vmul.f32 v50, v47;
	v7 =	vmul.f32 v60, v26  }
0x85: {  	v63 =	vmul.f32 v50, v30;
	v54 =	vmul.f32 v60, v46  }
0x86: {  	v8 =	vmul.f32 v60, v23;
	v51 =	vmul.f32 v60, v31  }
0x87: {  	p0 =	sne.s32 s24, $0xF0;
	v14 =	vld [tilespmem:s28+$0x600];
	v59 =	vmul.f32 v50, v45;
	v56 =	vmul.f32 v60, v29  }
.Ltmp0:
0x88: {  	v61 =	vmul.f32 v60, v42;
	v6 =	vadd.f32 v5, v6;
	v2 =	vadd.f32 v2, v4;
	(pc) =	sbr.rel @p0 .LBB2_4-.Ltmp0, $4  }
0x89: {  	v53 =	vmul.f32 v60, v39;
	v62 =	vmul.f32 v60, v44  }
0x8a: {  	v5 =	vmul.f32 v52, v48;
	v6 =	vadd.f32 v7, v6;
	v8 =	vadd.f32 v8, v2  }
0x8b: {  	v4 =	vmul.f32 v50, v27;
	v2 =	vmul.f32 v50, v32  }
0x8c: {  	s24 =	sadd.s32 $0x10, s24;
	s26 =	sadd.s32 s31, s23;
	v7 =	vmul.f32 v52, v28;
	v57 =	vadd.f32 v6, v14;
	v6 =	vadd.f32 v8, v14  }
0x8d: {  	v8 =	vld [tilespmem:$0x1FED0]  }
0x8e: {  	v9 =	vld [tilespmem:$0x1FF20]  }
0x8f: {  	v12 =	vld [tilespmem:$0x1FEF0]  }
0x90: {  	v10 =	vmul.f32 v60, v33;
	v33 =	vld [tilespmem:$0x1FF40]  }
0x91: {  	v15 =	vmul.f32 v50, v34;
	v34 =	vld [tilespmem:$0x1FF30]  }
0x92: {  	v16 =	vld [tilespmem:$0x1FF60]  }
0x93: {  	v11 =	vmul.f32 v50, v38;
	v32 =	vmul.f32 v50, v35;
	v18 =	vld [tilespmem:$0x1FF70]  }
0x94: {  	v3 =	vadd.f32 v5, v3;
	v13 =	vmul.f32 v60, v43;
	v36 =	vmul.f32 v50, v36;
	v21 =	vld [tilespmem:$0x1FFD0]  }
0x95: {  	v20 =	vmul.f32 v52, v37;
	v22 =	vld [tilespmem:$0x1FF10];
	v31 =	vmul.f32 v6, v0;
	v4 =	vadd.f32 v7, v4  }
0x96: {  	v45 =	vmul.f32 v57, v0;
	v1 =	vadd.f32 v1, v3;
	v3 =	vld [tilespmem:$0x1FEE0];
	v8 =	vmul.f32 v60, v8  }
0x97: {  	v39 =	vld [tilespmem:$0x1FFE0];
	v7 =	vadd.f32 v58, v32;
	v9 =	vmul.f32 v52, v9;
	v12 =	vmul.f32 v52, v12  }
0x98: {  	v35 =	vld [tilespmem:$0x1FFB0];
	v5 =	vmax.f32 v6, v31;
	v6 =	vmul.f32 v52, v33;
	v16 =	vmul.f32 v50, v16  }
0x99: {  	v17 =	vld [tilespmem:$0x1FF50];
	v1 =	vadd.f32 v1, v14;
	v18 =	vmul.f32 v52, v18;
	v21 =	vmul.f32 v50, v21  }
0x9a: {  	v38 =	vld [tilespmem:$0x1FFC0];
	v22 =	vmul.f32 v50, v22;
	v4 =	vadd.f32 v8, v4;
	v8 =	vmul.f32 v52, v34  }
0x9b: {  	v42 =	vld [tilespmem:$0x1FFF0];
	v3 =	vmul.f32 v50, v3;
	v2 =	vadd.f32 v6, v2;
	v16 =	vadd.f32 v18, v16  }
0x9c: {  	v19 =	vld [tilespmem:$0x1FF00];
	v18 =	vadd.f32 v20, v36;
	v20 =	vmul.f32 v52, v39;
	v9 =	vadd.f32 v9, v22  }
0x9d: {  	v6 =	vmul.f32 v60, v35;
	v8 =	vadd.f32 v8, v63;
	v3 =	vadd.f32 v12, v3  }
0x9e: {  	v40 =	vld [tilespmem:$0x1FFA0];
	v17 =	vmul.f32 v60, v17;
	v13 =	vadd.f32 v13, v18;
	v41 =	vadd.f32 v20, v21  }
0x9f: {  	v12 =	vmul.f32 v52, v38;
	v6 =	vadd.f32 v6, v7;
	v9 =	vadd.f32 v56, v9  }
0xa0: {  	v44 =	vld [tilespmem:$0x1FF90];
	v20 =	vmul.f32 v52, v42;
	v10 =	vadd.f32 v10, v16;
	v2 =	vadd.f32 v17, v2  }
0xa1: {  	v47 =	vld [tilespmem:$0x1FF80];
	v19 =	vmul.f32 v60, v19;
	v12 =	vadd.f32 v12, v15;
	v43 =	vadd.f32 v62, v41  }
0xa2: {  	v23 =	vmul.f32 v1, v0;
	v20 =	vadd.f32 v20, v59;
	v13 =	vadd.f32 v13, v14  }
0xa3: {  	v15 =	vmul.f32 v52, v40;
	v6 =	vadd.f32 v6, v14;
	v3 =	vadd.f32 v19, v3  }
0xa4: {  	v1 =	vmax.f32 v1, v23;
	v10 =	vadd.f32 v10, v14;
	v8 =	vadd.f32 v51, v8  }
0xa5: {  	v18 =	vmul.f32 v52, v44;
	v2 =	vadd.f32 v2, v14;
	v11 =	vadd.f32 v15, v11  }
0xa6: {  	s22 =	sadd.s32 s25, s26;
	v46 =	vadd.f32 v43, v14;
	v15 =	vmul.f32 v50, v47;
	v20 =	vadd.f32 v54, v20  }
0xa7: {  	[tilespmem:s22+$0x0] =	vst v5;
	v49 =	vmul.f32 v13, v0;
	v50 =	vmax.f32 v57, v45;
	v54 =	vmul.f32 v6, v0  }
0xa8: {  	[tilespmem:s22+$0xF00] =	vst v1;
	v3 =	vadd.f32 v3, v14;
	v56 =	vmul.f32 v10, v0;
	v48 =	vmul.f32 v46, v0  }
0xa9: {  	[tilespmem:s22+$0x100] =	vst v50;
	v11 =	vadd.f32 v55, v11;
	v20 =	vadd.f32 v20, v14;
	v52 =	vmax.f32 v13, v49  }
0xaa: {  	v57 =	vadd.f32 v8, v14;
	v55 =	vadd.f32 v18, v15;
	[tilespmem:s22+$0xE00] =	vst v52;
	v1 =	vmax.f32 v46, v48  }
0xab: {  	v5 =	vmax.f32 v6, v54;
	v11 =	vadd.f32 v11, v14;
	[tilespmem:s22+$0xC00] =	vst v1;
	v1 =	vmul.f32 v20, v0  }
0xac: {  	v59 =	vmul.f32 v3, v0;
	v6 =	vmax.f32 v10, v56;
	[tilespmem:s22+$0xA00] =	vst v5;
	v58 =	vadd.f32 v53, v55  }
0xad: {  	v12 =	vadd.f32 v61, v12;
	[tilespmem:s22+$0x700] =	vst v6;
	v24 =	vmul.f32 v11, v0;
	v1 =	vmax.f32 v20, v1  }
0xae: {  	v3 =	vmax.f32 v3, v59;
	v8 =	vadd.f32 v58, v14;
	[tilespmem:s22+$0xD00] =	vst v1;
	v1 =	vmul.f32 v57, v0  }
0xaf: {  	v9 =	vadd.f32 v9, v14;
	v60 =	vmul.f32 v2, v0;
	[tilespmem:s22+$0x300] =	vst v3;
	v11 =	vmax.f32 v11, v24  }
0xb0: {  	s21 =	sadd.s32 $0x1, s21;
	v61 =	vadd.f32 v12, v14;
	v3 =	vmul.f32 v8, v0;
	[tilespmem:s22+$0x900] =	vst v11;
	v1 =	vmax.f32 v57, v1  }
0xb1: {  	p0 =	sne.s32 s21, $0x10;
	v4 =	vadd.f32 v4, v14;
	v62 =	vmul.f32 v9, v0;
	[tilespmem:s22+$0x500] =	vst v1;
	v1 =	vmax.f32 v2, v60  }
.Ltmp1:
0xb2: {  	v2 =	vmul.f32 v61, v0;
	[tilespmem:s22+$0x600] =	vst v1;
	v1 =	vmax.f32 v8, v3;
	(pc) =	sbr.rel @p0 .LBB2_3-.Ltmp1, $4  }
0xb3: {  	v63 =	vmul.f32 v4, v0;
	v3 =	vmax.f32 v9, v62;
	[tilespmem:s22+$0x800] =	vst v1  }
0xb4: {  	v1 =	vmax.f32 v61, v2;
	[tilespmem:s22+$0x400] =	vst v3  }
0xb5: {  	v2 =	vmax.f32 v4, v63;
	[tilespmem:s22+$0xB00] =	vst v1  }
0xb6: {  	[tilespmem:s22+$0x200] =	vst v2  }
0xb7: {  	s18 =	sadd.s32 $0x1, s18  }
0xb8: {  	s19 =	sshll.u32 s19, $0x5;
	p0 =	sne.s32 s18, $0x20  }
.Ltmp2:
0xb9: {  	s19 =	sadd.s32 s6, s19;
	(pc) =	sbr.rel @p0 .LBB2_2-.Ltmp2, $4  }
0xba: {  	[hbm4b:s19+s2] =	stream.linear.scatter [tilespmem:s16], [sflag:$0x1], $0x10000, $0x38;
	[tilespmem:$0x10780] =	vst v63  }
0xbb: {  	_ =	swait.ge [sflag:s12], $0x10000  }
0xbc: {  	[sflag:s12] =	ssyncset.done $0x0  }
0xbd: {  	[sflag:s12] =	ssyncadd.s32 $0xFFFF0000  }
0xbe: {  	s17 =	sadd.s32 $0x1, s17  }
0xbf: {  	p0 =	sne.s32 s17, s10  }
.Ltmp3:
0xc0: {  	_ = 	snop;
	(pc) =	sbr.rel @p0 .LBB2_1-.Ltmp3, $1  }
0xc1: {  	_ =	sdelay $0x3  }
0xc2: {  	_ =	sfence.sel $0x180000  }
0xc3: {  	[bflag:$0x0] =	sbarrier.arrive $0xFFFF  }
0xc4: {  	p0 =	sne.s32 s3, $0x0;
	_ =	strace $0x90000047  }
0xc5: {  	s0 =	sadd.s32 @!p0 $0x100000, s0;
	[bflag:$0x2] =	sbarrier.arrive $0xFFFF  }
0xc6: {  	[sflag:s0] =	ssyncadd.tile.s32 @!p0 $0x1;
	_ =	shalt  }
.Lfunc_end2:
_tile_overlayer_lowered:
.L_overlay_start_2:
0xc7: {  	(tag) =	ssettag $0x2  }
0xc8: {  	s0 =	rddreg [dreg:$0x0];
	s2 =	stileid.u32  }
0xc9: {  	s1 =	rddreg [dreg:$0x1];
	p0 =	sne.s32 s2, $0x0  }
0xca: {  	s3 =	rddreg [dreg:$0x2];
	[bflag:$0x3] =	sbarrier.arrive $0xFFFF;
	s2 =	simm.s32 @!p0 $0x1C01  }
0xcb: {  	[timem:s3], [sflag:s2] =	dma.local @!p0 [hbm:s0], s1  }
0xcc: {  	s0 =	simm.s32 @!p0 $0x1  }
0xcd: {  	_ =	swait.ge @!p0 [sflag:s0], s1  }
0xce: {  	s1 =	ssub.s32 @!p0 $0x0, s1;
	[sflag:s0] =	ssyncset.done @!p0 $0x0  }
0xcf: {  	[sflag:s0] =	ssyncadd.s32 @!p0 s1  }
0xd0: {  	[bflag:$0x3] =	sbarrier.arrive $0xFFFF  }
0xd1: {  	_ =	shalt  }

</sc_bundles>
